<compile_context>
chip_gen: v7x
topology: tpu7x:2x2x1
jax: 0.10.2.dev20260603
libtpu: 0.0.44.dev20260713+nightly
codegen_flags: <defaults>
</compile_context>

<pallas_src>
import functools

import jax
import jax.numpy as jnp
from jax import lax
from jax.experimental import pallas as pl
from jax.experimental.pallas import tpu as pltpu
from jax.experimental.pallas import tpu_sc as plsc

E = 8
K = 2
T = 2048
D = 1024
F = 1408
BS = 128

P = T * K
BM = 640
G = -(-P // BM) + E - 1
N = G * BM
NF = F // BS


def _sc_row_gather(src, idx, n_rows, chunk, width, dtype):
    info = plsc.get_sparse_core_info()
    nw = info.num_cores * info.num_subcores
    b_per_w = n_rows // nw
    n_chunks = b_per_w // chunk
    mesh = plsc.VectorSubcoreMesh(core_axis_name="c", subcore_axis_name="s")

    @functools.partial(
        pl.kernel,
        mesh=mesh,
        out_type=jax.ShapeDtypeStruct((n_rows, width), dtype),
        scratch_types=[
            pltpu.VMEM((b_per_w,), jnp.int32),
            pltpu.VMEM((chunk, width), dtype),
            pltpu.SemaphoreType.DMA,
        ],
    )
    def gather_k(src_hbm, idx_hbm, out_hbm, idx_v, buf, sem):
        wid = lax.axis_index("s") * info.num_cores + lax.axis_index("c")
        base = wid * b_per_w
        pltpu.sync_copy(idx_hbm.at[pl.ds(base, b_per_w)], idx_v)

        def body(c, _):
            off = c * chunk
            pltpu.async_copy(
                src_hbm.at[idx_v.at[pl.ds(off, chunk)]], buf, sem
            ).wait()
            pltpu.sync_copy(buf, out_hbm.at[pl.ds(base + off, chunk)])
            return 0

        lax.fori_loop(0, n_chunks, body, 0)

    return gather_k(src, idx)


def _mlp_body(ebk_ref, nb_ref, xs_ref, w0_ref, w1_ref, w2_ref,
              s0_ref, s1_ref, s2_ref, out_ref, xsb_ref, wgu_ref,
              hi_ref, wd_ref):
    g = pl.program_id(0)
    fb = pl.program_id(1)

    dn = (((1,), (1,)), ((), ()))
    bf = jnp.bfloat16

    @pl.when(jnp.logical_and(g < nb_ref[0], fb == 0))
    def _():
        xsb_ref[...] = xs_ref[...].astype(jnp.bfloat16)

    @pl.when(g < nb_ref[0])
    def _():
        xs = xsb_ref[...]
        s0_full = s0_ref[0, 0]
        s1_full = s1_ref[0, 0]
        expand = (lax.broadcasted_iota(jnp.int32, (D, D // BS), 0) // BS
                  == lax.broadcasted_iota(jnp.int32, (D, D // BS), 1)
                  ).astype(jnp.float32)
        s2_full = lax.dot_general(expand, s2_ref[0, 0], dn,
                                  preferred_element_type=jnp.float32)
        wgu_ref[0:BS, :] = (w0_ref[0] * s0_full).astype(bf)
        wgu_ref[BS:2 * BS, :] = (w1_ref[0] * s1_full).astype(bf)
        gu = lax.dot_general(xs, wgu_ref[...], dn,
                             preferred_element_type=jnp.float32)
        gi = gu[:, :BS]
        ui = gu[:, BS:]
        hi = (gi * jax.nn.sigmoid(gi) * ui).astype(bf)
        off = pl.multiple_of(fb * BS, BS)
        hi_ref[:, pl.ds(off, BS)] = hi
        wd_ref[:, pl.ds(off, BS)] = (w2_ref[0] * s2_full).astype(bf)

    @pl.when(jnp.logical_and(g < nb_ref[0], fb == NF - 1))
    def _():
        out_ref[...] = lax.dot_general(
            hi_ref[...], wd_ref[...], dn,
            preferred_element_type=jnp.float32)


def _grouped_mlp(xs_pad, w0, w1, w2, s0, s1, s2, ebk, nb):
    def xs_map(g, fb, ebk_ref, nb_ref):
        return (jnp.minimum(g, nb_ref[0] - 1), 0)

    def w01_map(g, fb, ebk_ref, nb_ref):
        return (ebk_ref[g], jnp.minimum(fb, NF - 1), 0)

    def w2_map(g, fb, ebk_ref, nb_ref):
        return (ebk_ref[g], 0, jnp.minimum(fb, NF - 1))

    def s_map(g, fb, ebk_ref, nb_ref):
        return (ebk_ref[g], jnp.minimum(fb, NF - 1), 0, 0)

    def out_map(g, fb, ebk_ref, nb_ref):
        return (jnp.minimum(g, nb_ref[0] - 1), 0)

    grid_spec = pltpu.PrefetchScalarGridSpec(
        num_scalar_prefetch=2,
        grid=(G, NF),
        in_specs=[
            pl.BlockSpec((BM, D), xs_map),
            pl.BlockSpec((1, BS, D), w01_map),
            pl.BlockSpec((1, BS, D), w01_map),
            pl.BlockSpec((1, D, BS), w2_map),
            pl.BlockSpec((1, 1, 1, D), s_map),
            pl.BlockSpec((1, 1, 1, D), s_map),
            pl.BlockSpec((1, 1, 1, D // BS), s_map),
        ],
        out_specs=pl.BlockSpec((BM, D), out_map),
        scratch_shapes=[
            pltpu.VMEM((BM, D), jnp.bfloat16),
            pltpu.VMEM((2 * BS, D), jnp.bfloat16),
            pltpu.VMEM((BM, F), jnp.bfloat16),
            pltpu.VMEM((D, F), jnp.bfloat16),
        ],
    )
    s0r = jnp.repeat(s0, BS, axis=2).reshape(E, NF, 1, D)
    s1r = jnp.repeat(s1, BS, axis=2).reshape(E, NF, 1, D)
    s2r = s2.transpose(0, 2, 1).reshape(E, NF, 1, D // BS)
    return pl.pallas_call(
        _mlp_body,
        grid_spec=grid_spec,
        out_shape=jax.ShapeDtypeStruct((N, D), jnp.float32),
    )(ebk, nb, xs_pad, w0, w1, w2, s0r, s1r, s2r)


def kernel(x, selected_experts, w0, w1, w2, s0, s1, s2):
    se = selected_experts.reshape(P).astype(jnp.int32)

    order = jnp.argsort(se)
    counts = jnp.bincount(se, length=E)
    cstart = jnp.concatenate(
        [jnp.zeros((1,), jnp.int32), jnp.cumsum(counts)[:-1].astype(jnp.int32)])
    nblk = -(-counts // BM)
    blk_start = jnp.concatenate(
        [jnp.zeros((1,), jnp.int32), jnp.cumsum(nblk)[:-1].astype(jnp.int32)])
    nblocks = jnp.sum(nblk).astype(jnp.int32)
    pstart = blk_start * BM

    e_sorted = se[order]
    i = jnp.arange(P, dtype=jnp.int32)
    ppos = pstart[e_sorted] + (i - cstart[e_sorted])
    pad_fill = jnp.arange(N, dtype=jnp.int32) % T
    tok_map = pad_fill.at[ppos].set((order // K).astype(jnp.int32))
    pos_out = jnp.zeros((P,), jnp.int32).at[order].set(ppos)

    garr = jnp.arange(G, dtype=jnp.int32)
    raw_e = (jnp.searchsorted(blk_start, garr, side="right") - 1).astype(jnp.int32)
    last_e = raw_e[jnp.maximum(nblocks - 1, 0)]
    ebk = jnp.where(garr < nblocks, raw_e, last_e).astype(jnp.int32)
    nb = nblocks.reshape(1)

    xs_pad = _sc_row_gather(x, tok_map, N, 56, D, jnp.float32)
    ys_pad = _grouped_mlp(xs_pad, w0, w1, w2, s0, s1, s2, ebk, nb)
    out = _sc_row_gather(ys_pad, pos_out, P, 64, D, jnp.float32)
    return out.reshape(T, K, D)

# --- scband reference (transcript-rebuilt; emitter-appended) ---
"""Pipeline reference for scband-deepseek-mo-e-1297080123443 (READ-ONLY COPY).

The authoritative reference and input builder live on the scoring server;
editing this copy changes nothing except your own understanding.
"""

import jax, jax.numpy as jnp
import numpy as np

E = 8          # num_experts
K = 2          # num_experts_per_tok
T = 2048       # tokens = batch(1) * seq_len(2048)
D = 1024       # d_model
F = 1408       # expert intermediate (d_ff)
BS = 128       # quant blocksize


def _dequant(w, s, bs):
    # w: [rows, cols] quantized-style weight; s: [rows//bs, cols//bs] block scales
    s_full = jnp.repeat(jnp.repeat(s, bs, axis=0), bs, axis=1)
    return w * s_full


def setup_inputs(seed: int = 0) -> dict:
    key = jax.random.key(seed)
    ks = jax.random.split(key, 9)
    x = jax.random.normal(ks[0], (T, D), dtype=jnp.float32)
    selected_experts = jax.random.randint(ks[1], (T, K), 0, E).astype(jnp.int64)
    w0 = jax.random.normal(ks[2], (E, F, D), dtype=jnp.float32) * 0.02
    w1 = jax.random.normal(ks[3], (E, F, D), dtype=jnp.float32) * 0.02
    w2 = jax.random.normal(ks[4], (E, D, F), dtype=jnp.float32) * 0.02
    s0 = jax.random.uniform(ks[5], (E, F // BS, D // BS), dtype=jnp.float32, minval=0.5, maxval=1.5)
    s1 = jax.random.uniform(ks[6], (E, F // BS, D // BS), dtype=jnp.float32, minval=0.5, maxval=1.5)
    s2 = jax.random.uniform(ks[7], (E, D // BS, F // BS), dtype=jnp.float32, minval=0.5, maxval=1.5)
    return {"x": x, "selected_experts": selected_experts,
            "w0": w0, "w1": w1, "w2": w2, "s0": s0, "s1": s1, "s2": s2}


def reference(x, selected_experts, w0, w1, w2, s0, s1, s2):
    # Each expert is a Deepseek gated MLP with block-dequantized weights:
    #   y = (silu(x @ W_gate^T) * (x @ W_up^T)) @ W_down^T
    def expert_fwd(w0e, w1e, w2e, s0e, s1e, s2e):
        Wg = _dequant(w0e, s0e, BS)   # [F, D]
        Wu = _dequant(w1e, s1e, BS)   # [F, D]
        Wd = _dequant(w2e, s2e, BS)   # [D, F]
        g = jax.nn.silu(x @ Wg.T)     # [T, F]
        u = x @ Wu.T                  # [T, F]
        return (g * u) @ Wd.T         # [T, D]

    out_all = jax.vmap(expert_fwd)(w0, w1, w2, s0, s1, s2)   # [E, T, D]
    # out[i, j, :] = experts[selected_experts[i, j]](x[i])
    tok_idx = jnp.arange(T)[:, None]                          # [T, 1]
    out = out_all[selected_experts, tok_idx]                  # [T, K, D] (gather)
    return out

if __name__ == "__main__":
    import jax
    _d = setup_inputs()
    print(jax.jit(kernel)(*tuple(_d.values())))

</pallas_src>

<mosaic_0001>
#map = affine_map<(d0, d1) -> (0, 0)>
#map1 = affine_map<(d0, d1) -> (0)>
module attributes {stable_mosaic.version = 14 : i64} {
  func.func @gather_k(%arg0: i32, %arg1: i32, %arg2: memref<2048x1024xf32, #tpu.memory_space<hbm>>, %arg3: memref<8960xi32, #tpu.memory_space<hbm>>, %arg4: memref<8960x1024xf32, #tpu.memory_space<hbm>>, %arg5: memref<280xi32, #tpu.memory_space<vmem>>, %arg6: memref<56x1024xf32, #tpu.memory_space<vmem>>, %arg7: memref<!tpu.dma_semaphore, #tpu.memory_space<semaphore_mem>>) attributes {dimension_semantics = [#tpu.dimension_semantics<core_parallel>, #tpu.dimension_semantics<subcore_parallel>], iteration_bounds = array<i64: 2, 16>, scalar_prefetch = 0 : i64, scratch_operands = 3 : i64, tpu.core_type = #tpu.core_type<sc_vector_subcore>, window_params = [{transform_indices = #map}, {transform_indices = #map1}, {transform_indices = #map}]} {
    %mul3A = arith.constant 2 : i32
    %mul3A_0 = arith.muli %arg1, %mul3A : i32
    %add3A = arith.addi %mul3A_0, %arg0 : i32
    %mul3A_1 = arith.constant 280 : i32
    %mul3A_2 = arith.muli %add3A, %mul3A_1 : i32
    "tpu.region"() ({
      %run_scoped3A = tpu.sem_alloc : memref<!tpu.dma_semaphore, #tpu.memory_space<semaphore_mem>>
      %dma_start3A = tpu.memref_slice %arg3[%mul3A_2] : memref<8960xi32, #tpu.memory_space<hbm>> -> memref<280xi32, #tpu.memory_space<hbm>>
      %dma_start3A_9 = tpu.memref_slice %arg3[%mul3A_2] : memref<8960xi32, #tpu.memory_space<hbm>> -> memref<280xi32, #tpu.memory_space<hbm>>
      tpu.enqueue_dma source(%dma_start3A_9 : memref<280xi32, #tpu.memory_space<hbm>>) target(%arg5 : memref<280xi32, #tpu.memory_space<vmem>>) target_semaphore(%run_scoped3A : memref<!tpu.dma_semaphore, #tpu.memory_space<semaphore_mem>>)
      %dma_wait3A = tpu.memref_slice %arg3[%mul3A_2] : memref<8960xi32, #tpu.memory_space<hbm>> -> memref<280xi32, #tpu.memory_space<hbm>>
      %dma_wait3A_10 = tpu.memref_slice %arg3[%mul3A_2] : memref<8960xi32, #tpu.memory_space<hbm>> -> memref<280xi32, #tpu.memory_space<hbm>>
      tpu.wait_dma2 semaphore(%run_scoped3A : memref<!tpu.dma_semaphore, #tpu.memory_space<semaphore_mem>>) src(%dma_wait3A_10 : memref<280xi32, #tpu.memory_space<hbm>>) dst(%arg5 : memref<280xi32, #tpu.memory_space<vmem>>)
      tpu.yield
    }) : () -> ()
    %scan3A = arith.constant 0 : i32
    %scan3A_3 = arith.constant 0 : i32
    %scan3A_4 = arith.constant 5 : i32
    %scan3A_5 = arith.addi %scan3A_3, %scan3A_4 : i32
    %scan3A_6 = arith.constant 1 : i32
    %scan3A_7 = scf.for %scan3A_9 = %scan3A_3 to %scan3A_5 step %scan3A_6 iter_args(%scan3A_10 = %scan3A) -> (i32)  : i32 {
      %mul3A_11 = arith.constant 56 : i32
      %mul3A_12 = arith.muli %scan3A_9, %mul3A_11 : i32
      %dma_start3A = tpu.memref_slice %arg5[%mul3A_12] : memref<280xi32, #tpu.memory_space<vmem>> -> memref<56xi32, #tpu.memory_space<vmem>>
      %dma_start3A_13 = arith.constant 0 : i32
      %dma_start3A_14 = arith.constant 0 : i32
      %dma_start3A_15 = tpu.memref_slice %arg2[%dma_start3A_13, %dma_start3A_14] : memref<2048x1024xf32, #tpu.memory_space<hbm>> -> memref<2048x1024xf32, #tpu.memory_space<hbm>>
      tpu.enqueue_indirect_dma source(%dma_start3A_15 : memref<2048x1024xf32, #tpu.memory_space<hbm>>) target(%arg6 : memref<56x1024xf32, #tpu.memory_space<vmem>>) offsets(%dma_start3A : memref<56xi32, #tpu.memory_space<vmem>>) semaphore(%arg7 : memref<!tpu.dma_semaphore, #tpu.memory_space<semaphore_mem>>)
      %dma_wait3A = tpu.memref_slice %arg5[%mul3A_12] : memref<280xi32, #tpu.memory_space<vmem>> -> memref<56xi32, #tpu.memory_space<vmem>>
      %dma_wait3A_16 = arith.constant 0 : i32
      %dma_wait3A_17 = arith.constant 0 : i32
      %dma_wait3A_18 = tpu.memref_slice %arg2[%dma_wait3A_16, %dma_wait3A_17] : memref<2048x1024xf32, #tpu.memory_space<hbm>> -> memref<2048x1024xf32, #tpu.memory_space<hbm>>
      tpu.wait_indirect_dma semaphore(%arg7 : memref<!tpu.dma_semaphore, #tpu.memory_space<semaphore_mem>>) src(%dma_wait3A_18 : memref<2048x1024xf32, #tpu.memory_space<hbm>>) dst(%arg6 : memref<56x1024xf32, #tpu.memory_space<vmem>>)
      %add3A_19 = arith.addi %mul3A_2, %mul3A_12 : i32
      "tpu.region"() ({
        %run_scoped3A = tpu.sem_alloc : memref<!tpu.dma_semaphore, #tpu.memory_space<semaphore_mem>>
        %dma_start3A_21 = arith.constant 0 : i32
        %dma_start3A_22 = tpu.memref_slice %arg4[%add3A_19, %dma_start3A_21] : memref<8960x1024xf32, #tpu.memory_space<hbm>> -> memref<56x1024xf32, #tpu.memory_space<hbm>>
        %dma_start3A_23 = arith.constant 0 : i32
        %dma_start3A_24 = tpu.memref_slice %arg4[%add3A_19, %dma_start3A_23] : memref<8960x1024xf32, #tpu.memory_space<hbm>> -> memref<56x1024xf32, #tpu.memory_space<hbm>>
        tpu.enqueue_dma source(%arg6 : memref<56x1024xf32, #tpu.memory_space<vmem>>) target(%dma_start3A_24 : memref<56x1024xf32, #tpu.memory_space<hbm>>) target_semaphore(%run_scoped3A : memref<!tpu.dma_semaphore, #tpu.memory_space<semaphore_mem>>)
        %dma_wait3A_25 = arith.constant 0 : i32
        %dma_wait3A_26 = tpu.memref_slice %arg4[%add3A_19, %dma_wait3A_25] : memref<8960x1024xf32, #tpu.memory_space<hbm>> -> memref<56x1024xf32, #tpu.memory_space<hbm>>
        %dma_wait3A_27 = arith.constant 0 : i32
        %dma_wait3A_28 = tpu.memref_slice %arg4[%add3A_19, %dma_wait3A_27] : memref<8960x1024xf32, #tpu.memory_space<hbm>> -> memref<56x1024xf32, #tpu.memory_space<hbm>>
        tpu.wait_dma2 semaphore(%run_scoped3A : memref<!tpu.dma_semaphore, #tpu.memory_space<semaphore_mem>>) src(%arg6 : memref<56x1024xf32, #tpu.memory_space<vmem>>) dst(%dma_wait3A_28 : memref<56x1024xf32, #tpu.memory_space<hbm>>)
        tpu.yield
      }) : () -> ()
      %scan3A_20 = arith.constant 0 : i32
      scf.yield %scan3A_20 : i32
    }
    %scan3A_8 = arith.constant 5 : i32
    return
  }
}

#map = affine_map<(d0, d1) -> (0, 0)>
#map1 = affine_map<(d0, d1) -> (0)>
module attributes {stable_mosaic.version = 14 : i64} {
  func.func @gather_k(%arg0: i32, %arg1: i32, %arg2: memref<8960x1024xf32, #tpu.memory_space<hbm>>, %arg3: memref<4096xi32, #tpu.memory_space<hbm>>, %arg4: memref<4096x1024xf32, #tpu.memory_space<hbm>>, %arg5: memref<128xi32, #tpu.memory_space<vmem>>, %arg6: memref<64x1024xf32, #tpu.memory_space<vmem>>, %arg7: memref<!tpu.dma_semaphore, #tpu.memory_space<semaphore_mem>>) attributes {dimension_semantics = [#tpu.dimension_semantics<core_parallel>, #tpu.dimension_semantics<subcore_parallel>], iteration_bounds = array<i64: 2, 16>, scalar_prefetch = 0 : i64, scratch_operands = 3 : i64, tpu.core_type = #tpu.core_type<sc_vector_subcore>, window_params = [{transform_indices = #map}, {transform_indices = #map1}, {transform_indices = #map}]} {
    %mul3A = arith.constant 2 : i32
    %mul3A_0 = arith.muli %arg1, %mul3A : i32
    %add3A = arith.addi %mul3A_0, %arg0 : i32
    %mul3A_1 = arith.constant 128 : i32
    %mul3A_2 = arith.muli %add3A, %mul3A_1 : i32
    "tpu.region"() ({
      %run_scoped3A = tpu.sem_alloc : memref<!tpu.dma_semaphore, #tpu.memory_space<semaphore_mem>>
      %dma_start3A = tpu.memref_slice %arg3[%mul3A_2] : memref<4096xi32, #tpu.memory_space<hbm>> -> memref<128xi32, #tpu.memory_space<hbm>>
      %dma_start3A_9 = tpu.memref_slice %arg3[%mul3A_2] : memref<4096xi32, #tpu.memory_space<hbm>> -> memref<128xi32, #tpu.memory_space<hbm>>
      tpu.enqueue_dma source(%dma_start3A_9 : memref<128xi32, #tpu.memory_space<hbm>>) target(%arg5 : memref<128xi32, #tpu.memory_space<vmem>>) target_semaphore(%run_scoped3A : memref<!tpu.dma_semaphore, #tpu.memory_space<semaphore_mem>>)
      %dma_wait3A = tpu.memref_slice %arg3[%mul3A_2] : memref<4096xi32, #tpu.memory_space<hbm>> -> memref<128xi32, #tpu.memory_space<hbm>>
      %dma_wait3A_10 = tpu.memref_slice %arg3[%mul3A_2] : memref<4096xi32, #tpu.memory_space<hbm>> -> memref<128xi32, #tpu.memory_space<hbm>>
      tpu.wait_dma2 semaphore(%run_scoped3A : memref<!tpu.dma_semaphore, #tpu.memory_space<semaphore_mem>>) src(%dma_wait3A_10 : memref<128xi32, #tpu.memory_space<hbm>>) dst(%arg5 : memref<128xi32, #tpu.memory_space<vmem>>)
      tpu.yield
    }) : () -> ()
    %scan3A = arith.constant 0 : i32
    %scan3A_3 = arith.constant 0 : i32
    %scan3A_4 = arith.constant 2 : i32
    %scan3A_5 = arith.addi %scan3A_3, %scan3A_4 : i32
    %scan3A_6 = arith.constant 1 : i32
    %scan3A_7 = scf.for %scan3A_9 = %scan3A_3 to %scan3A_5 step %scan3A_6 iter_args(%scan3A_10 = %scan3A) -> (i32)  : i32 {
      %mul3A_11 = arith.constant 64 : i32
      %mul3A_12 = arith.muli %scan3A_9, %mul3A_11 : i32
      %dma_start3A = tpu.memref_slice %arg5[%mul3A_12] : memref<128xi32, #tpu.memory_space<vmem>> -> memref<64xi32, #tpu.memory_space<vmem>>
      %dma_start3A_13 = arith.constant 0 : i32
      %dma_start3A_14 = arith.constant 0 : i32
      %dma_start3A_15 = tpu.memref_slice %arg2[%dma_start3A_13, %dma_start3A_14] : memref<8960x1024xf32, #tpu.memory_space<hbm>> -> memref<8960x1024xf32, #tpu.memory_space<hbm>>
      tpu.enqueue_indirect_dma source(%dma_start3A_15 : memref<8960x1024xf32, #tpu.memory_space<hbm>>) target(%arg6 : memref<64x1024xf32, #tpu.memory_space<vmem>>) offsets(%dma_start3A : memref<64xi32, #tpu.memory_space<vmem>>) semaphore(%arg7 : memref<!tpu.dma_semaphore, #tpu.memory_space<semaphore_mem>>)
      %dma_wait3A = tpu.memref_slice %arg5[%mul3A_12] : memref<128xi32, #tpu.memory_space<vmem>> -> memref<64xi32, #tpu.memory_space<vmem>>
      %dma_wait3A_16 = arith.constant 0 : i32
      %dma_wait3A_17 = arith.constant 0 : i32
      %dma_wait3A_18 = tpu.memref_slice %arg2[%dma_wait3A_16, %dma_wait3A_17] : memref<8960x1024xf32, #tpu.memory_space<hbm>> -> memref<8960x1024xf32, #tpu.memory_space<hbm>>
      tpu.wait_indirect_dma semaphore(%arg7 : memref<!tpu.dma_semaphore, #tpu.memory_space<semaphore_mem>>) src(%dma_wait3A_18 : memref<8960x1024xf32, #tpu.memory_space<hbm>>) dst(%arg6 : memref<64x1024xf32, #tpu.memory_space<vmem>>)
      %add3A_19 = arith.addi %mul3A_2, %mul3A_12 : i32
      "tpu.region"() ({
        %run_scoped3A = tpu.sem_alloc : memref<!tpu.dma_semaphore, #tpu.memory_space<semaphore_mem>>
        %dma_start3A_21 = arith.constant 0 : i32
        %dma_start3A_22 = tpu.memref_slice %arg4[%add3A_19, %dma_start3A_21] : memref<4096x1024xf32, #tpu.memory_space<hbm>> -> memref<64x1024xf32, #tpu.memory_space<hbm>>
        %dma_start3A_23 = arith.constant 0 : i32
        %dma_start3A_24 = tpu.memref_slice %arg4[%add3A_19, %dma_start3A_23] : memref<4096x1024xf32, #tpu.memory_space<hbm>> -> memref<64x1024xf32, #tpu.memory_space<hbm>>
        tpu.enqueue_dma source(%arg6 : memref<64x1024xf32, #tpu.memory_space<vmem>>) target(%dma_start3A_24 : memref<64x1024xf32, #tpu.memory_space<hbm>>) target_semaphore(%run_scoped3A : memref<!tpu.dma_semaphore, #tpu.memory_space<semaphore_mem>>)
        %dma_wait3A_25 = arith.constant 0 : i32
        %dma_wait3A_26 = tpu.memref_slice %arg4[%add3A_19, %dma_wait3A_25] : memref<4096x1024xf32, #tpu.memory_space<hbm>> -> memref<64x1024xf32, #tpu.memory_space<hbm>>
        %dma_wait3A_27 = arith.constant 0 : i32
        %dma_wait3A_28 = tpu.memref_slice %arg4[%add3A_19, %dma_wait3A_27] : memref<4096x1024xf32, #tpu.memory_space<hbm>> -> memref<64x1024xf32, #tpu.memory_space<hbm>>
        tpu.wait_dma2 semaphore(%run_scoped3A : memref<!tpu.dma_semaphore, #tpu.memory_space<semaphore_mem>>) src(%arg6 : memref<64x1024xf32, #tpu.memory_space<vmem>>) dst(%dma_wait3A_28 : memref<64x1024xf32, #tpu.memory_space<hbm>>)
        tpu.yield
      }) : () -> ()
      %scan3A_20 = arith.constant 0 : i32
      scf.yield %scan3A_20 : i32
    }
    %scan3A_8 = arith.constant 2 : i32
    return
  }
}

module attributes {stable_mosaic.version = 14 : i64} {
  func.func @_mlp_body(%arg0: i32, %arg1: i32, %arg2: memref<14xi32, #tpu.memory_space<smem>>, %arg3: memref<1xi32, #tpu.memory_space<smem>>, %arg4: memref<640x1024xf32, #tpu.memory_space<vmem>>, %arg5: memref<1x128x1024xf32, #tpu.memory_space<vmem>>, %arg6: memref<1x128x1024xf32, #tpu.memory_space<vmem>>, %arg7: memref<1x1024x128xf32, #tpu.memory_space<vmem>>, %arg8: memref<1x1x1x1024xf32, #tpu.memory_space<vmem>>, %arg9: memref<1x1x1x1024xf32, #tpu.memory_space<vmem>>, %arg10: memref<1x1x1x8xf32, #tpu.memory_space<vmem>>, %arg11: memref<640x1024xf32, #tpu.memory_space<vmem>>, %arg12: memref<640x1024xbf16, #tpu.memory_space<vmem>>, %arg13: memref<256x1024xbf16, #tpu.memory_space<vmem>>, %arg14: memref<640x1408xbf16, #tpu.memory_space<vmem>>, %arg15: memref<1024x1408xbf16, #tpu.memory_space<vmem>>) attributes {dimension_semantics = [#tpu.dimension_semantics<arbitrary>, #tpu.dimension_semantics<arbitrary>], iteration_bounds = array<i64: 14, 11>, scalar_prefetch = 2 : i64, scratch_operands = 4 : i64, tpu.core_type = #tpu.core_type<tc>, window_params = [{transform_indices = @transform_0, window_bounds = array<i64: 640, 1024>}, {transform_indices = @transform_1, window_bounds = array<i64: 1, 128, 1024>}, {transform_indices = @transform_2, window_bounds = array<i64: 1, 128, 1024>}, {transform_indices = @transform_3, window_bounds = array<i64: 1, 1024, 128>}, {transform_indices = @transform_4, window_bounds = array<i64: 1, 1, 1, 1024>}, {transform_indices = @transform_5, window_bounds = array<i64: 1, 1, 1, 1024>}, {transform_indices = @transform_6, window_bounds = array<i64: 1, 1, 1, 8>}, {transform_indices = @transform_7, window_bounds = array<i64: 640, 1024>}]} {
    %get3A = arith.constant 0 : index
    %get3A_0 = memref.load %arg3[%get3A] : memref<1xi32, #tpu.memory_space<smem>>
    %lt3A = arith.cmpi slt, %arg0, %get3A_0 : i32
    %eq3A = arith.constant 0 : i32
    %eq3A_1 = arith.cmpi eq, %arg1, %eq3A : i32
    %and3A = arith.andi %lt3A, %eq3A_1 : i1
    %convert_element_type3A = arith.extui %and3A : i1 to i32
    %cond3A = arith.constant 0 : i32
    %cond3A_2 = arith.cmpi ne, %convert_element_type3A, %cond3A : i32
    scf.if %cond3A_2 {
      %get3A_18 = arith.constant 0 : index
      %get3A_19 = arith.constant 0 : index
      %get3A_20 = vector.load %arg4[%get3A_18, %get3A_19] : memref<640x1024xf32, #tpu.memory_space<vmem>>, vector<640x1024xf32>
      %convert_element_type3A_21 = arith.truncf %get3A_20 : vector<640x1024xf32> to vector<640x1024xbf16>
      %swap3A = arith.constant 0 : index
      %swap3A_22 = arith.constant 0 : index
      %swap3A_23 = vector.load %arg12[%swap3A, %swap3A_22] : memref<640x1024xbf16, #tpu.memory_space<vmem>>, vector<640x1024xbf16>
      tpu.vector_store %arg12[%swap3A, %swap3A_22], %convert_element_type3A_21 {strides = array<i32>} : memref<640x1024xbf16, #tpu.memory_space<vmem>>, vector<640x1024xbf16>,
    } else {
    }
    %get3A_3 = arith.constant 0 : index
    %get3A_4 = memref.load %arg3[%get3A_3] : memref<1xi32, #tpu.memory_space<smem>>
    %lt3A_5 = arith.cmpi slt, %arg0, %get3A_4 : i32
    %convert_element_type3A_6 = arith.extui %lt3A_5 : i1 to i32
    %cond3A_7 = arith.constant 0 : i32
    %cond3A_8 = arith.cmpi ne, %convert_element_type3A_6, %cond3A_7 : i32
    scf.if %cond3A_8 {
      %get3A_18 = arith.constant 0 : index
      %get3A_19 = arith.constant 0 : index
      %get3A_20 = vector.load %arg12[%get3A_18, %get3A_19] : memref<640x1024xbf16, #tpu.memory_space<vmem>>, vector<640x1024xbf16>
      %get3A_21 = arith.constant 0 : index
      %get3A_22 = arith.constant 0 : index
      %get3A_23 = arith.constant 0 : index
      %get3A_24 = arith.constant 0 : index
      %get3A_25 = vector.load %arg8[%get3A_21, %get3A_22, %get3A_23, %get3A_24] : memref<1x1x1x1024xf32, #tpu.memory_space<vmem>>, vector<1x1x1x1024xf32>
      %get3A_26 = vector.shape_cast %get3A_25 : vector<1x1x1x1024xf32> to vector<1x1024xf32>
      %get3A_27 = arith.constant 0 : index
      %get3A_28 = arith.constant 0 : index
      %get3A_29 = arith.constant 0 : index
      %get3A_30 = arith.constant 0 : index
      %get3A_31 = vector.load %arg9[%get3A_27, %get3A_28, %get3A_29, %get3A_30] : memref<1x1x1x1024xf32, #tpu.memory_space<vmem>>, vector<1x1x1x1024xf32>
      %get3A_32 = vector.shape_cast %get3A_31 : vector<1x1x1x1024xf32> to vector<1x1024xf32>
      %iota3A = tpu.iota {dimensions = array<i32: 0>} : vector<1024x8xi32>
      %jit3A = arith.constant 128 : i32
      %div3A = vector.broadcast %jit3A : i32 to vector<1024x8xi32>
      %div3A_33 = arith.divsi %iota3A, %div3A : vector<1024x8xi32>
      %sign3A = arith.constant 0 : i32
      %sign3A_34 = vector.broadcast %sign3A : i32 to vector<1024x8xi32>
      %sign3A_35 = arith.cmpi sgt, %iota3A, %sign3A_34 : vector<1024x8xi32>
      %sign3A_36 = arith.extui %sign3A_35 : vector<1024x8xi1> to vector<1024x8xi32>
      %sign3A_37 = arith.constant 0 : i32
      %sign3A_38 = vector.broadcast %sign3A_37 : i32 to vector<1024x8xi32>
      %sign3A_39 = arith.cmpi slt, %iota3A, %sign3A_38 : vector<1024x8xi32>
      %sign3A_40 = arith.extui %sign3A_39 : vector<1024x8xi1> to vector<1024x8xi32>
      %sign3A_41 = arith.subi %sign3A_36, %sign3A_40 : vector<1024x8xi32>
      %sign3A_42 = arith.constant 0 : i32
      %sign3A_43 = arith.cmpi sgt, %jit3A, %sign3A_42 : i32
      %sign3A_44 = arith.extui %sign3A_43 : i1 to i32
      %sign3A_45 = arith.constant 0 : i32
      %sign3A_46 = arith.cmpi slt, %jit3A, %sign3A_45 : i32
      %sign3A_47 = arith.extui %sign3A_46 : i1 to i32
      %sign3A_48 = arith.subi %sign3A_44, %sign3A_47 : i32
      %ne3A = vector.broadcast %sign3A_48 : i32 to vector<1024x8xi32>
      %ne3A_49 = arith.cmpi ne, %sign3A_41, %ne3A : vector<1024x8xi32>
      %rem3A = vector.broadcast %jit3A : i32 to vector<1024x8xi32>
      %rem3A_50 = arith.remsi %iota3A, %rem3A : vector<1024x8xi32>
      %ne3A_51 = arith.constant 0 : i32
      %ne3A_52 = vector.broadcast %ne3A_51 : i32 to vector<1024x8xi32>
      %ne3A_53 = arith.cmpi ne, %rem3A_50, %ne3A_52 : vector<1024x8xi32>
      %and3A_54 = arith.andi %ne3A_49, %ne3A_53 : vector<1024x8xi1>
      %sub3A = arith.constant 1 : i32
      %sub3A_55 = vector.broadcast %sub3A : i32 to vector<1024x8xi32>
      %sub3A_56 = arith.subi %div3A_33, %sub3A_55 : vector<1024x8xi32>
      %select_n3A = arith.select %and3A_54, %sub3A_56, %div3A_33 : vector<1024x8xi1>, vector<1024x8xi32>
      %iota3A_57 = tpu.iota {dimensions = array<i32: 1>} : vector<1024x8xi32>
      %eq3A_58 = arith.cmpi eq, %select_n3A, %iota3A_57 : vector<1024x8xi32>
      %convert_element_type3A_59 = arith.extui %eq3A_58 : vector<1024x8xi1> to vector<1024x8xi32>
      %convert_element_type3A_60 = arith.sitofp %convert_element_type3A_59 : vector<1024x8xi32> to vector<1024x8xf32>
      %get3A_61 = arith.constant 0 : index
      %get3A_62 = arith.constant 0 : index
      %get3A_63 = arith.constant 0 : index
      %get3A_64 = arith.constant 0 : index
      %get3A_65 = vector.load %arg10[%get3A_61, %get3A_62, %get3A_63, %get3A_64] : memref<1x1x1x8xf32, #tpu.memory_space<vmem>>, vector<1x1x1x8xf32>
      %get3A_66 = vector.shape_cast %get3A_65 : vector<1x1x1x8xf32> to vector<1x8xf32>
      %dot_general3A = arith.constant dense<0.000000e+00> : vector<1024x1xf32>
      %dot_general3A_67 = tpu.matmul %convert_element_type3A_60, %get3A_66, %dot_general3A {dimension_numbers = #tpu.dot_dimension_numbers<[1], [1], [0], [0], [0, 0, 1, 0], [], []>, transpose_lhs_hint = false} : vector<1024x8xf32>, vector<1x8xf32>, vector<1024x1xf32> -> vector<1024x1xf32>
      %get3A_68 = arith.constant 0 : index
      %get3A_69 = arith.constant 0 : index
      %get3A_70 = arith.constant 0 : index
      %get3A_71 = vector.load %arg5[%get3A_68, %get3A_69, %get3A_70] : memref<1x128x1024xf32, #tpu.memory_space<vmem>>, vector<1x128x1024xf32>
      %get3A_72 = vector.shape_cast %get3A_71 : vector<1x128x1024xf32> to vector<128x1024xf32>
      %mul3A = vector.broadcast %get3A_26 : vector<1x1024xf32> to vector<128x1024xf32>
      %mul3A_73 = arith.mulf %get3A_72, %mul3A : vector<128x1024xf32>
      %convert_element_type3A_74 = arith.truncf %mul3A_73 : vector<128x1024xf32> to vector<128x1024xbf16>
      %swap3A = arith.constant 0 : index
      %swap3A_75 = arith.constant 0 : index
      %swap3A_76 = vector.load %arg13[%swap3A, %swap3A_75] : memref<256x1024xbf16, #tpu.memory_space<vmem>>, vector<128x1024xbf16>
      tpu.vector_store %arg13[%swap3A, %swap3A_75], %convert_element_type3A_74 {strides = array<i32>} : memref<256x1024xbf16, #tpu.memory_space<vmem>>, vector<128x1024xbf16>,
      %get3A_77 = arith.constant 0 : index
      %get3A_78 = arith.constant 0 : index
      %get3A_79 = arith.constant 0 : index
      %get3A_80 = vector.load %arg6[%get3A_77, %get3A_78, %get3A_79] : memref<1x128x1024xf32, #tpu.memory_space<vmem>>, vector<1x128x1024xf32>
      %get3A_81 = vector.shape_cast %get3A_80 : vector<1x128x1024xf32> to vector<128x1024xf32>
      %mul3A_82 = vector.broadcast %get3A_32 : vector<1x1024xf32> to vector<128x1024xf32>
      %mul3A_83 = arith.mulf %get3A_81, %mul3A_82 : vector<128x1024xf32>
      %convert_element_type3A_84 = arith.truncf %mul3A_83 : vector<128x1024xf32> to vector<128x1024xbf16>
      %swap3A_85 = arith.constant 128 : index
      %swap3A_86 = arith.constant 0 : index
      %swap3A_87 = vector.load %arg13[%swap3A_85, %swap3A_86] : memref<256x1024xbf16, #tpu.memory_space<vmem>>, vector<128x1024xbf16>
      tpu.vector_store %arg13[%swap3A_85, %swap3A_86], %convert_element_type3A_84 {strides = array<i32>} : memref<256x1024xbf16, #tpu.memory_space<vmem>>, vector<128x1024xbf16>,
      %get3A_88 = arith.constant 0 : index
      %get3A_89 = arith.constant 0 : index
      %get3A_90 = vector.load %arg13[%get3A_88, %get3A_89] : memref<256x1024xbf16, #tpu.memory_space<vmem>>, vector<256x1024xbf16>
      %dot_general3A_91 = arith.constant dense<0.000000e+00> : vector<640x256xf32>
      %dot_general3A_92 = tpu.matmul %get3A_20, %get3A_90, %dot_general3A_91 {dimension_numbers = #tpu.dot_dimension_numbers<[1], [1], [0], [0], [0, 0, 1, 0], [], []>, transpose_lhs_hint = false} : vector<640x1024xbf16>, vector<256x1024xbf16>, vector<640x256xf32> -> vector<640x256xf32>
      %slice3A = vector.extract_strided_slice %dot_general3A_92 {offsets = [0, 0], sizes = [640, 128], strides = [1, 1]} : vector<640x256xf32> to vector<640x128xf32>
      %slice3A_93 = vector.extract_strided_slice %dot_general3A_92 {offsets = [0, 128], sizes = [640, 128], strides = [1, 1]} : vector<640x256xf32> to vector<640x128xf32>
      %logistic3A = arith.negf %slice3A : vector<640x128xf32>
      %logistic3A_94 = math.exp %logistic3A : vector<640x128xf32>
      %logistic3A_95 = arith.constant 1.000000e+00 : f32
      %logistic3A_96 = vector.broadcast %logistic3A_95 : f32 to vector<640x128xf32>
      %logistic3A_97 = arith.addf %logistic3A_96, %logistic3A_94 : vector<640x128xf32>
      %logistic3A_98 = arith.divf %logistic3A_96, %logistic3A_97 : vector<640x128xf32>
      %mul3A_99 = arith.mulf %slice3A, %logistic3A_98 : vector<640x128xf32>
      %mul3A_100 = arith.mulf %mul3A_99, %slice3A_93 : vector<640x128xf32>
      %convert_element_type3A_101 = arith.truncf %mul3A_100 : vector<640x128xf32> to vector<640x128xbf16>
      %mul3A_102 = arith.constant 128 : i32
      %mul3A_103 = arith.muli %arg1, %mul3A_102 : i32
      %multiple_of3A = tpu.assume_multiple %mul3A_103, 128 : i32
      %swap3A_104 = arith.constant 0 : index
      %swap3A_105 = arith.index_cast %multiple_of3A : i32 to index
      %swap3A_106 = vector.load %arg14[%swap3A_104, %swap3A_105] : memref<640x1408xbf16, #tpu.memory_space<vmem>>, vector<640x128xbf16>
      tpu.vector_store %arg14[%swap3A_104, %swap3A_105], %convert_element_type3A_101 {strides = array<i32>} : memref<640x1408xbf16, #tpu.memory_space<vmem>>, vector<640x128xbf16>,
      %get3A_107 = arith.constant 0 : index
      %get3A_108 = arith.constant 0 : index
      %get3A_109 = arith.constant 0 : index
      %get3A_110 = vector.load %arg7[%get3A_107, %get3A_108, %get3A_109] : memref<1x1024x128xf32, #tpu.memory_space<vmem>>, vector<1x1024x128xf32>
      %get3A_111 = vector.shape_cast %get3A_110 : vector<1x1024x128xf32> to vector<1024x128xf32>
      %mul3A_112 = vector.broadcast %dot_general3A_67 : vector<1024x1xf32> to vector<1024x128xf32>
      %mul3A_113 = arith.mulf %get3A_111, %mul3A_112 : vector<1024x128xf32>
      %convert_element_type3A_114 = arith.truncf %mul3A_113 : vector<1024x128xf32> to vector<1024x128xbf16>
      %swap3A_115 = arith.constant 0 : index
      %swap3A_116 = arith.index_cast %multiple_of3A : i32 to index
      %swap3A_117 = vector.load %arg15[%swap3A_115, %swap3A_116] : memref<1024x1408xbf16, #tpu.memory_space<vmem>>, vector<1024x128xbf16>
      tpu.vector_store %arg15[%swap3A_115, %swap3A_116], %convert_element_type3A_114 {strides = array<i32>} : memref<1024x1408xbf16, #tpu.memory_space<vmem>>, vector<1024x128xbf16>,
    } else {
    }
    %get3A_9 = arith.constant 0 : index
    %get3A_10 = memref.load %arg3[%get3A_9] : memref<1xi32, #tpu.memory_space<smem>>
    %lt3A_11 = arith.cmpi slt, %arg0, %get3A_10 : i32
    %eq3A_12 = arith.constant 10 : i32
    %eq3A_13 = arith.cmpi eq, %arg1, %eq3A_12 : i32
    %and3A_14 = arith.andi %lt3A_11, %eq3A_13 : i1
    %convert_element_type3A_15 = arith.extui %and3A_14 : i1 to i32
    %cond3A_16 = arith.constant 0 : i32
    %cond3A_17 = arith.cmpi ne, %convert_element_type3A_15, %cond3A_16 : i32
    scf.if %cond3A_17 {
      %get3A_18 = arith.constant 0 : index
      %get3A_19 = arith.constant 0 : index
      %get3A_20 = vector.load %arg14[%get3A_18, %get3A_19] : memref<640x1408xbf16, #tpu.memory_space<vmem>>, vector<640x1408xbf16>
      %get3A_21 = arith.constant 0 : index
      %get3A_22 = arith.constant 0 : index
      %get3A_23 = vector.load %arg15[%get3A_21, %get3A_22] : memref<1024x1408xbf16, #tpu.memory_space<vmem>>, vector<1024x1408xbf16>
      %dot_general3A = arith.constant dense<0.000000e+00> : vector<640x1024xf32>
      %dot_general3A_24 = tpu.matmul %get3A_20, %get3A_23, %dot_general3A {dimension_numbers = #tpu.dot_dimension_numbers<[1], [1], [0], [0], [0, 0, 1, 0], [], []>, transpose_lhs_hint = false} : vector<640x1408xbf16>, vector<1024x1408xbf16>, vector<640x1024xf32> -> vector<640x1024xf32>
      %swap3A = arith.constant 0 : index
      %swap3A_25 = arith.constant 0 : index
      %swap3A_26 = vector.load %arg11[%swap3A, %swap3A_25] : memref<640x1024xf32, #tpu.memory_space<vmem>>, vector<640x1024xf32>
      tpu.vector_store %arg11[%swap3A, %swap3A_25], %dot_general3A_24 {strides = array<i32>} : memref<640x1024xf32, #tpu.memory_space<vmem>>, vector<640x1024xf32>,
    } else {
    }
    return
  }
  func.func @transform_0(%arg0: i32, %arg1: i32, %arg2: memref<14xi32, #tpu.memory_space<smem>>, %arg3: memref<1xi32, #tpu.memory_space<smem>>) -> (i32, i32) {
    %get3A = arith.constant 0 : index
    %get3A_0 = memref.load %arg3[%get3A] : memref<1xi32, #tpu.memory_space<smem>>
    %sub3A = arith.constant 1 : i32
    %sub3A_1 = arith.subi %get3A_0, %sub3A : i32
    %min3A = arith.minsi %arg0, %sub3A_1 : i32
    %c0_i32 = arith.constant 0 : i32
    %c0_i32_2 = arith.constant 0 : i32
    return %min3A, %c0_i32 : i32, i32
  }
  func.func @transform_1(%arg0: i32, %arg1: i32, %arg2: memref<14xi32, #tpu.memory_space<smem>>, %arg3: memref<1xi32, #tpu.memory_space<smem>>) -> (i32, i32, i32) {
    %get3A = arith.index_cast %arg0 : i32 to index
    %get3A_0 = memref.load %arg2[%get3A] : memref<14xi32, #tpu.memory_space<smem>>
    %min3A = arith.constant 10 : i32
    %min3A_1 = arith.minsi %arg1, %min3A : i32
    %c0_i32 = arith.constant 0 : i32
    %c0_i32_2 = arith.constant 0 : i32
    return %get3A_0, %min3A_1, %c0_i32 : i32, i32, i32
  }
  func.func @transform_2(%arg0: i32, %arg1: i32, %arg2: memref<14xi32, #tpu.memory_space<smem>>, %arg3: memref<1xi32, #tpu.memory_space<smem>>) -> (i32, i32, i32) {
    %get3A = arith.index_cast %arg0 : i32 to index
    %get3A_0 = memref.load %arg2[%get3A] : memref<14xi32, #tpu.memory_space<smem>>
    %min3A = arith.constant 10 : i32
    %min3A_1 = arith.minsi %arg1, %min3A : i32
    %c0_i32 = arith.constant 0 : i32
    %c0_i32_2 = arith.constant 0 : i32
    return %get3A_0, %min3A_1, %c0_i32 : i32, i32, i32
  }
  func.func @transform_3(%arg0: i32, %arg1: i32, %arg2: memref<14xi32, #tpu.memory_space<smem>>, %arg3: memref<1xi32, #tpu.memory_space<smem>>) -> (i32, i32, i32) {
    %get3A = arith.index_cast %arg0 : i32 to index
    %get3A_0 = memref.load %arg2[%get3A] : memref<14xi32, #tpu.memory_space<smem>>
    %min3A = arith.constant 10 : i32
    %min3A_1 = arith.minsi %arg1, %min3A : i32
    %c0_i32 = arith.constant 0 : i32
    %c0_i32_2 = arith.constant 0 : i32
    return %get3A_0, %c0_i32, %min3A_1 : i32, i32, i32
  }
  func.func @transform_4(%arg0: i32, %arg1: i32, %arg2: memref<14xi32, #tpu.memory_space<smem>>, %arg3: memref<1xi32, #tpu.memory_space<smem>>) -> (i32, i32, i32, i32) {
    %get3A = arith.index_cast %arg0 : i32 to index
    %get3A_0 = memref.load %arg2[%get3A] : memref<14xi32, #tpu.memory_space<smem>>
    %min3A = arith.constant 10 : i32
    %min3A_1 = arith.minsi %arg1, %min3A : i32
    %c0_i32 = arith.constant 0 : i32
    %c0_i32_2 = arith.constant 0 : i32
    %c0_i32_3 = arith.constant 0 : i32
    return %get3A_0, %min3A_1, %c0_i32, %c0_i32_2 : i32, i32, i32, i32
  }
  func.func @transform_5(%arg0: i32, %arg1: i32, %arg2: memref<14xi32, #tpu.memory_space<smem>>, %arg3: memref<1xi32, #tpu.memory_space<smem>>) -> (i32, i32, i32, i32) {
    %get3A = arith.index_cast %arg0 : i32 to index
    %get3A_0 = memref.load %arg2[%get3A] : memref<14xi32, #tpu.memory_space<smem>>
    %min3A = arith.constant 10 : i32
    %min3A_1 = arith.minsi %arg1, %min3A : i32
    %c0_i32 = arith.constant 0 : i32
    %c0_i32_2 = arith.constant 0 : i32
    %c0_i32_3 = arith.constant 0 : i32
    return %get3A_0, %min3A_1, %c0_i32, %c0_i32_2 : i32, i32, i32, i32
  }
  func.func @transform_6(%arg0: i32, %arg1: i32, %arg2: memref<14xi32, #tpu.memory_space<smem>>, %arg3: memref<1xi32, #tpu.memory_space<smem>>) -> (i32, i32, i32, i32) {
    %get3A = arith.index_cast %arg0 : i32 to index
    %get3A_0 = memref.load %arg2[%get3A] : memref<14xi32, #tpu.memory_space<smem>>
    %min3A = arith.constant 10 : i32
    %min3A_1 = arith.minsi %arg1, %min3A : i32
    %c0_i32 = arith.constant 0 : i32
    %c0_i32_2 = arith.constant 0 : i32
    %c0_i32_3 = arith.constant 0 : i32
    return %get3A_0, %min3A_1, %c0_i32, %c0_i32_2 : i32, i32, i32, i32
  }
  func.func @transform_7(%arg0: i32, %arg1: i32, %arg2: memref<14xi32, #tpu.memory_space<smem>>, %arg3: memref<1xi32, #tpu.memory_space<smem>>) -> (i32, i32) {
    %get3A = arith.constant 0 : index
    %get3A_0 = memref.load %arg3[%get3A] : memref<1xi32, #tpu.memory_space<smem>>
    %sub3A = arith.constant 1 : i32
    %sub3A_1 = arith.subi %get3A_0, %sub3A : i32
    %min3A = arith.minsi %arg0, %sub3A_1 : i32
    %c0_i32 = arith.constant 0 : i32
    %c0_i32_2 = arith.constant 0 : i32
    return %min3A, %c0_i32 : i32, i32
  }
}

</mosaic_0001>

<sc_bundles>
// kernel: gather_offload_async_start
scs
__scs_entry_jumppad:
0x0: {  	(pc) =	sbr.rel $0x88, $3  }
0x1: {  	(tag) =	ssettag $0x0;
	lr =	simm.s32 $0x1  }
0x2: {  	[smem:$0x3F99] =	sst lr;
	_ =	strace $0xD0000000  }
0x3: {  	_ = 	snop  }
0x4: {  	_ = 	snop  }
0x5: {  	_ = 	snop  }
0x6: {  	_ = 	snop  }
0x7: {  	_ = 	snop  }
__scs_overlays_trampoline_lowered:
0x8: {  	[smem:$0x3FA8] =	sst s0  }
0x9: {  	[smem:$0x3FA9] =	sst s1  }
0xa: {  	[smem:$0x3FAA] =	sst s2  }
0xb: {  	[smem:$0x3FAB] =	sst s3  }
0xc: {  	[smem:$0x3FAC] =	sst s4  }
0xd: {  	[smem:$0x3FAD] =	sst s5  }
0xe: {  	[smem:$0x3FAE] =	sst s6  }
0xf: {  	[smem:$0x3FAF] =	sst s7  }
0x10: {  	[smem:$0x3FB0] =	sst s8  }
0x11: {  	[smem:$0x3FB1] =	sst s9;
	s0 =	simm.s32 @!p0 $0x0  }
0x12: {  	s1 =	sld [smem:$0x3F97];
	s0 =	simm.s32 @p0 $0x1  }
0x13: {  	[smem:$0x3FB2] =	sst s0;
	s0 =	simm.s32 @!p1 $0x0  }
0x14: {  	s2 =	sld [smem:$0x3F96];
	s0 =	simm.s32 @p1 $0x1  }
0x15: {  	[smem:$0x3FB3] =	sst s0;
	s0 =	simm.s32 @!p2 $0x0  }
0x16: {  	s3 =	sld [smem:$0x3FDB];
	s0 =	simm.s32 @p2 $0x1  }
0x17: {  	s4 =	simm.s32 $0x1BF5;
	[smem:$0x3FB5] =	sst s0  }
0x18: {  	s0 =	sld [smem:$0x3F98];
	_ =	swait.ge [sflag:s4], $0x0  }
0x19: {  	s7 =	sld [smem:$0x3F99]  }
0x1a: {  	s8 =	sadd.s32 $0xFFFFE003, lr  }
0x1b: {  	s9 =	sadd.s32 $0xFFFFFEF7, lr;
	s5 =	simm.s32 $0xFFFFFFFF;
	p2 =	slt.u32 s8, $0xFFFFF086  }
0x1c: {  	p1 =	slt.u32 s9, $0xF7A;
	s5 =	simm.s32 @!p2 $0x0  }
0x1d: {  	s5 =	simm.s32 @p1 $0x1;
	p0 =	seq.s32 s7, s2  }
0x1e: {  	s7 =	smul.u32 @!p0 $0xF7A, s2;
	p2 =	seq.s32 @!p0 s5, $0x0  }
0x1f: {  	s9 =	smul.u32 $0xF7A, s1;
	s8 =	simm.s32 @!p0 $0x1BF5;
	p2 =	por !p2, p0  }
0x20: {  	[sflag:s8] =	ssyncset.s32 @!p0 $0xFFFFF086;
	s6 =	sadd.s32 @!p0 s3, s7;
	s7 =	simm.s32 @!p0 $0x108  }
0x21: {  	s3 =	sadd.s32 s3, s9;
	s6 =	sadd.s32 @!p0 $0x88, s6;
	s7 =	simm.s32 @p2 $0x1082  }
0x22: {  	[simem:s7], [sflag:s8] =	dma.local @!p0 [hbm:s6], $0xF7A  }
0x23: {  	s9 =	sor.u32 $0xD0000000, s2;
	s6 =	simm.s32 $0x108;
	_ =	swait.ge @!p0 [sflag:s8], $0x0  }
0x24: {  	s3 =	sadd.s32 $0x88, s3;
	s6 =	simm.s32 @!p1 $0x1082;
	[sflag:s4] =	ssyncset.s32 $0xFFFFF086  }
0x25: {  	[simem:s6], [sflag:s4] =	dma.local [hbm:s3], $0xF7A  }
0x26: {  	[smem:$0x3F99] =	sst s1;
	(tag) =	ssettag s2;
	_ =	strace s9  }
0x27: {  	s1 =	sld [smem:$0x3FA9]  }
0x28: {  	s2 =	sld [smem:$0x3FAA]  }
0x29: {  	s4 =	sld [smem:$0x3FAC]  }
0x2a: {  	p0 =	seq.s32 s5, $0x0;
	s5 =	sld [smem:$0x3FAD]  }
0x2b: {  	s6 =	sld [smem:$0x3FAE]  }
0x2c: {  	s7 =	sld [smem:$0x3FAF]  }
0x2d: {  	s3 =	simm.s32 $0x108;
	s8 =	sld [smem:$0x3FB0]  }
0x2e: {  	s3 =	simm.s32 @!p0 $0x1082;
	s9 =	sld [smem:$0x3FB1]  }
0x2f: {  	lr =	sadd.s32 s0, s3;
	s0 =	sld [smem:$0x3FA8]  }
0x30: {  	s3 =	sld [smem:$0x3FAB]  }
0x31: {  	[smem:$0x3FB4] =	sst s10  }
0x32: {  	s10 =	sld [smem:$0x3FB2];
	_ =	sdelay $0x3  }
0x33: {  	p0 =	seq.s32 s10, $0x1;
	s10 =	sld [smem:$0x3FB4];
	_ =	sdelay $0x3  }
0x34: {  	[smem:$0x3FB4] =	sst s10  }
0x35: {  	s10 =	sld [smem:$0x3FB3];
	_ =	sdelay $0x3  }
0x36: {  	p1 =	seq.s32 s10, $0x1;
	s10 =	sld [smem:$0x3FB4];
	_ =	sdelay $0x3  }
0x37: {  	[smem:$0x3FB4] =	sst s10  }
0x38: {  	s10 =	sld [smem:$0x3FB5]  }
0x39: {  	_ = 	snop;
	(pc) =	sbr.ind lr, $3  }
0x3a: {  	_ = 	snop  }
0x3b: {  	_ = 	snop  }
0x3c: {  	p2 =	seq.s32 s10, $0x1;
	s10 =	sld [smem:$0x3FB4]  }
0x3d: {  	_ =	shalt  }
0x3e: {  	_ =	shalt  }
0x3f: {  	_ =	shalt  }
0x40: {  	_ =	shalt  }
0x41: {  	_ =	shalt  }
0x42: {  	_ =	shalt  }
0x43: {  	_ =	shalt  }
0x44: {  	_ =	shalt  }
0x45: {  	_ =	shalt  }
0x46: {  	_ =	shalt  }
0x47: {  	_ =	shalt  }
0x48: {  	_ =	shalt  }
0x49: {  	_ =	shalt  }
0x4a: {  	_ =	shalt  }
0x4b: {  	_ =	shalt  }
0x4c: {  	_ =	shalt  }
0x4d: {  	_ =	shalt  }
0x4e: {  	_ =	shalt  }
0x4f: {  	_ =	shalt  }
0x50: {  	_ =	shalt  }
0x51: {  	_ =	shalt  }
0x52: {  	_ =	shalt  }
0x53: {  	_ =	shalt  }
0x54: {  	_ =	shalt  }
0x55: {  	_ =	shalt  }
0x56: {  	_ =	shalt  }
0x57: {  	_ =	shalt  }
0x58: {  	_ =	shalt  }
0x59: {  	_ =	shalt  }
0x5a: {  	_ =	shalt  }
0x5b: {  	_ =	shalt  }
0x5c: {  	_ =	shalt  }
0x5d: {  	_ =	shalt  }
0x5e: {  	_ =	shalt  }
0x5f: {  	_ =	shalt  }
0x60: {  	_ =	shalt  }
0x61: {  	_ =	shalt  }
0x62: {  	_ =	shalt  }
0x63: {  	_ =	shalt  }
0x64: {  	_ =	shalt  }
0x65: {  	_ =	shalt  }
0x66: {  	_ =	shalt  }
0x67: {  	_ =	shalt  }
0x68: {  	_ =	shalt  }
0x69: {  	_ =	shalt  }
0x6a: {  	_ =	shalt  }
0x6b: {  	_ =	shalt  }
0x6c: {  	_ =	shalt  }
0x6d: {  	_ =	shalt  }
0x6e: {  	_ =	shalt  }
0x6f: {  	_ =	shalt  }
0x70: {  	_ =	shalt  }
0x71: {  	_ =	shalt  }
0x72: {  	_ =	shalt  }
0x73: {  	_ =	shalt  }
0x74: {  	_ =	shalt  }
0x75: {  	_ =	shalt  }
0x76: {  	_ =	shalt  }
0x77: {  	_ =	shalt  }
0x78: {  	_ =	shalt  }
0x79: {  	_ =	shalt  }
0x7a: {  	_ =	shalt  }
0x7b: {  	_ =	shalt  }
0x7c: {  	_ =	shalt  }
0x7d: {  	_ =	shalt  }
0x7e: {  	_ =	shalt  }
0x7f: {  	_ =	shalt  }
0x80: {  	_ =	shalt  }
0x81: {  	_ =	shalt  }
0x82: {  	_ =	shalt  }
0x83: {  	_ =	shalt  }
0x84: {  	_ =	shalt  }
0x85: {  	_ =	shalt  }
0x86: {  	_ =	shalt  }
0x87: {  	_ =	shalt  }
.Lfunc_end0:
.L_simem_size_0:
called_computation.1_lowered:
.L_overlay_start_0:
0x88: {  	s2 =	sld [smem:$0x3FD9]  }
0x89: {  	s3 =	sld [smem:$0x3FFE];
	_ =	sdelay $0x1  }
0x8a: {  	s1 =	srdreg.scid  }
0x8b: {  	s0 =	sand.u32 $0x1, s1  }
0x8c: {  	s17 =	sshll.u32 s0, $0xA;
	s2 =	sadd.s32 s3, s2  }
0x8d: {  	s2 =	sadd.s32 s2, s17  }
0x8e: {  	[smem:$0x3FC0] =	sst s2  }
0x8f: {  	_ = 	snop  }
0x90: {  	s2 =	sld [smem:$0x3FD0];
	(tm) =	ssettm $0x1  }
0x91: {  	s18 =	sld [smem:$0x3FFB];
	_ =	sdelay $0x3  }
0x92: {  	_ =	strace s18  }
0x93: {  	s3 =	sld [smem:$0x3FFC];
	_ =	sdelay $0x3  }
0x94: {  	_ =	strace s3  }
0x95: {  	s3 =	sld [smem:$0x3FFD];
	_ =	sdelay $0x3  }
0x96: {  	_ =	strace s3  }
0x97: {  	_ =	strace $0x8FFFFFFF  }
0x98: {  	s19 =	sld [smem:$0x3FDB];
	_ =	sdelay $0x1  }
0x99: {  	s4 =	simm.s32 $_scs_section_size  }
0x9a: {  	s5 =	simm.s32 $_size__tile_overlayer_lowered;
	s6 =	simm.s32 $_tile_overlayer_lowered  }
0x9b: {  	s22 =	simm.s32 $0x1BFF;
	s21 =	sshll.u32 s6, $0x1;
	s3 =	sadd.s32 s4, s19  }
0x9c: {  	s7 =	simm.s32 $0x0;
	s20 =	sshll.u32 s5, $0x1;
	s5 =	sadd.s32 s21, s3  }
0x9d: {  	[timem:s7], [sflag:s22] =	dma.local [hbm:s5], s20  }
0x9e: {  	_ =	swait.ge [sflag:s22], s20  }
0x9f: {  	s4 =	ssub.s32 $0x0, s20;
	[sflag:s22] =	ssyncset.done $0x0  }
0xa0: {  	[sflag:s22] =	ssyncadd.s32 s4;
	_ =	sdelay $0x1  }
0xa1: {  	s23 =	simm.s32 $0x1B8B  }
0xa2: {  	_ =	swait.ge [sflag:s23], $0x1  }
0xa3: {  	[sflag:s23] =	ssyncset.done $0x0  }
0xa4: {  	s25 =	simm.s32 $0x1B8E;
	s24 =	sld [smem:$0x3FFE];
	[sflag:s23] =	ssyncadd.s32 $0xFFFFFFFF  }
0xa5: {  	s26 =	simm.s32 $execute0_lowered;
	[smem:$0x3FD2] =	sst s25  }
0xa6: {  	s5 =	sshll.u32 s26, $0x1;
	_ =	strace $0x80000049;
	[dreg:$0x1] =	wrdreg $0xFFFFFFFF  }
0xa7: {  	s28 =	simm.s32 $_size_execute0_lowered;
	s3 =	sadd.s32 s3, s5;
	[dreg:$0x0] =	wrdreg $0x0  }
0xa8: {  	s5 =	sshll.u32 s28, $0x1;
	[dreg:$0x2] =	wrdreg s3  }
0xa9: {  	[dreg:$0x3] =	wrdreg s5  }
0xaa: {  	[dreg:$0x4] =	wrdreg $0xC0  }
0xab: {  	_ =	task [dreg:s7], $0x5FFFF  }
0xac: {  	[dreg:$0x1] =	wrdreg $0xFFFFFFFF  }
0xad: {  	[dreg:$0x0] =	wrdreg $0x60  }
0xae: {  	[dreg:$0x2] =	wrdreg s24  }
0xaf: {  	[dreg:$0x3] =	wrdreg s2  }
0xb0: {  	[dreg:$0x4] =	wrdreg $0x9  }
0xb1: {  	_ =	task.clear_ibuf [dreg:s7], $0x5FFFF;
	_ =	strace $0x90000049  }
0xb2: {  	s29 =	simm.s32 $0x9;
	_ =	strace $0x8000004B  }
0xb3: {  	_ =	swait.ge [sflag:s29], $0x1  }
0xb4: {  	[sflag:s29] =	ssyncadd.s32 $0xFFFFFFFF  }
0xb5: {  	_ =	strace $0x9000004B  }
0xb6: {  	_ =	sfence  }
0xb7: {  	s30 =	sld [smem:$0x0];
	_ =	sdelay $0x2  }
0xb8: {  	s31 =	sshll.u32 s1, $0xD;
	s1 =	sshrl.u32 s1, $0x2  }
0xb9: {  	s3 =	sand.u32 $0x4000, s31;
	s1 =	sadd.s32 s1, s30  }
0xba: {  	s0 =	sor.u32 s3, s0;
	s1 =	sshll.u32 s1, $0x11  }
0xbb: {  	s0 =	sor.u32 s1, s0  }
0xbc: {  	s0 =	sadd.s32 $0x8F2B, s0  }
0xbd: {  	[sflag:s0] =	ssyncadd.remote.s32 $0x1  }
0xbe: {  	_ =	sfence.sel $0xFFFF  }
0xbf: {  	[dreg:$0x0] =	wrdreg $0xFFFFFFFF;
	(pc) =	sbr.abs _section_cstart, $3  }
0xc0: {  	[dreg:$0x1] =	wrdreg $0xFFFFFFFF  }
0xc1: {  	_ =	task.clear_ibuf [dreg:s7], $0x2FFFF;
	_ =	strace $0x9FFFFFFF  }
0xc2: {  	(tm) =	ssettm $0x7FFFFFFF  }
0xc3: {  	_ =	shalt  }
tec
execute0_lowered:
.L_overlay_start_1:
0x0: {  	(tag) =	ssettag $0x1  }
0x1: {  	s1 =	srdreg.scid;
	s2 =	rddreg [dreg:$0x0]  }
0x2: {  	s0 =	stileid.u32;
	s3 =	rddreg [dreg:$0x1]  }
0x3: {  	s6 =	simm.s32 $0x1;
	s9 =	simm.s32 $0x1;
	s1 =	sshll.u32 s1, $0x6  }
0x4: {  	s10 =	simm.s32 $0x3;
	s4 =	sshll.u32 s0, $0x7;
	s5 =	sand.u32 $0x40, s1  }
0x5: {  	s13 =	simm.s32 $0x0;
	s12 =	simm.s32 $0x0;
	s4 =	sor.u32 s4, s5  }
0x6: {  	s1 =	rddreg [dreg:$0x2];
	_ =	strace $0x8000004A;
	s8 =	ssub.s32 $0x1000, s4  }
.Ltmp0:
0x7: {  	s5 =	sadd.s32 $0x600, s2;
	s7 =	sand.u32 $0x7C0, s8;
	(pc) =	sbr.rel .LBB2_1-.Ltmp0, $4  }
0x8: {  	[sflag:s6] =	ssyncpa.u1 $0x0;
	s11 =	smov.u32 s4;
	p0 =	sne.s32 s7, $0x0  }
0x9: {  	s8 =	sshrl.u32 s8, $0xB;
	s7 =	simm.s32 $0x2;
	s9 =	simm.s32 @!p0 $0x0  }
0xa: {  	[sflag:s7] =	ssyncpa.u1 $0x0;
	p0 =	por $0x0, $0x0;
	s8 =	sadd.s32 s9, s8  }
0xb: {  	vm0 =	vmmov $0xffff;
	[sflag:s10] =	ssyncpa.u1 $0x0;
	s10 =	simm.s32 $0x0;
	s9 =	sadd.s32 $0x1, s8  }
.LBB2_4:
0xc: {  	v2 =	vnsel vm1, $0x0, v2  }
0xd: {  	vm1 =	vgt.s32 v0, $0x0;
	v2 =	vmin.u32 v2, $0xFFF  }
0xe: {  	v0 =	vnsel vm1, $0x0, v0  }
0xf: {  	v0 =	vmin.u32 v0, $0xFFF  }
0x10: {  	[tilespmem:s15], [sflag:$0x1] =	stream.indirect_vreg.gather [hbm4b:s2+s10], $0x1, v1, vm0, $0x4038;
	[tilespmem:$0x100] =	vst v63  }
0x11: {  	(ifvalue) =	ssetifvalue $0x7FFFFFFF  }
0x12: {  	[tilespmem:s16], [sflag:$0x1] =	stream.indirect_vreg.gather [hbm4b:s2+s10], $0x1, v2, vm0, $0x4038;
	[tilespmem:$0x100] =	vst v63  }
0x13: {  	s29 =	sadd.s32 $0x10, s16;
	(ifvalue) =	ssetifvalue $0x7FFFFFFF  }
0x14: {  	[tilespmem:s29], [sflag:$0x1] =	stream.indirect_vreg.gather [hbm4b:s2+s10], $0x1, v0, vm0, $0x4038;
	[tilespmem:$0x100] =	vst v63  }
0x15: {  	_ =	swait.ge [sflag:s6], $0x40  }
0x16: {  	s30 =	sshrl.u32 s13, $0x3;
	[sflag:s6] =	ssyncset.done $0x0  }
0x17: {  	s31 =	sand.u32 $0x7, s13;
	s15 =	sadd.s32 s3, s30;
	[sflag:s6] =	ssyncadd.s32 $0xFFFFFFC0  }
0x18: {  	[hbm4b:s15+s31] =	stream.linear.scatter [tilespmem:s14], [sflag:$0x3], $0x40, $0x38;
	[tilespmem:$0x100] =	vst v63  }
.LBB2_5:
0x19: {  	s15 =	sadd.s32 $0x800, s11  }
0x1a: {  	p2 =	sgt.s32 s15, $0xFFF  }
0x1b: {  	s15 =	smov.u32 @p2 s4;
	p2 =	sne.s32 s12, s9  }
.Ltmp1:
0x1c: {  	p1 =	slt.u32 s12, $0x2;
	(pc) =	sbr.rel @!p2 .LBB2_6-.Ltmp1, $4  }
0x1d: {  	s14 =	simm.s32 @!p1 $0x3  }
0x1e: {  	s16 =	sadd.s32 $0x1, s12;
	_ =	swait.ge @!p1 [sflag:s14], $0x40  }
0x1f: {  	s13 =	smov.u32 s11;
	p0 =	por !p0, !p0;
	[sflag:s14] =	ssyncset.done @!p1 $0x0  }
0x20: {  	s12 =	smov.u32 s16;
	s11 =	smov.u32 s15;
	[sflag:s14] =	ssyncadd.s32 @!p1 $0xFFFFFFC0  }
.LBB2_1:
0x21: {  	p1 =	sge.u32 s12, s8  }
0x22: {  	s14 =	sxor.u32 @!p1 $0xFFFFFFFF, s12  }
0x23: {  	s31 =	sadd.s32 $0xFFFFFFFF, s12;
	s15 =	sshrl.u32 @!p1 s11, $0x3;
	s14 =	sshll.u32 @!p1 s14, $0x6  }
0x24: {  	s16 =	sand.u32 @!p1 $0x7, s11;
	s15 =	sadd.s32 @!p1 s5, s15;
	s14 =	sand.u32 @!p1 $0x40, s14  }
0x25: {  	[tilespmem:s14], [sflag:$0x2] =	stream.linear.gather @!p1 [hbm4b:s15+s16], $0x40, $0x38;
	[tilespmem:$0x100] =	vst v63  }
0x26: {  	p1 =	sge.u32 s31, s8  }
.Ltmp2:
0x27: {  	_ = 	snop;
	(pc) =	sbr.rel @p1 .LBB2_5-.Ltmp2, $1  }
0x28: {  	_ =	sdelay $0x3  }
0x29: {  	s14 =	simm.s32 $0x1  }
0x2a: {  	_ =	swait.ge [sflag:s7], $0x40;
	s14 =	simm.s32 @!p0 $0x0  }
0x2b: {  	[sflag:s7] =	ssyncset.done $0x0;
	s14 =	sshll.u32 s14, $0x6  }
0x2c: {  	[sflag:s7] =	ssyncadd.s32 $0xFFFFFFC0;
	(ifvalue) =	ssetifvalue $0x7FFFFFFF;
	v0 =	vld.msk [tilespmem:s14+$0x0 ss:$0x1], $0xffff;
	_ =	sdelay $0x4  }
0x2d: {  	s15 =	sadd.s32 $0x10, s14;
	vm1 =	vgt.s32 v0, $0x0  }
0x2e: {  	v2 =	vld.msk [tilespmem:s15+$0x0 ss:$0x1], $0xffff;
	v1 =	vnsel vm1, $0x0, v0  }
0x2f: {  	v1 =	vmin.u32 v1, $0xFFF;
	_ =	sdelay $0x1  }
0x30: {  	s16 =	sshll.u32 s12, $0x6;
	s18 =	simm.s32 $0x20  }
0x31: {  	s16 =	sand.u32 $0x40, s16;
	s17 =	sadd.s32 $0x10, s15;
	s15 =	sor.u32 $0x80, s14  }
0x32: {  	s14 =	sor.u32 $0x80, s16;
	s16 =	sadd.s32 $0x10, s15;
	v0 =	vld.msk [tilespmem:s17+$0x0 ss:$0x1], $0xffff;
	vm1 =	vgt.s32 v2, $0x0;
	(ifvalue) =	ssetifvalue $0x7FFFFFFF  }
.LBB2_3:
0x33: {  	[tilespmem:s15], [sflag:$0x1] =	stream.indirect_vreg.gather [hbm4b:s2+s10], $0x1, v1, vm0, $0x4038;
	[tilespmem:$0x100] =	vst v63  }
0x34: {  	s18 =	sadd.s32 $0x10, s18  }
0x35: {  	v2 =	vnsel vm1, $0x0, v2;
	p1 =	slt.u32 s18, $0x30  }
.Ltmp3:
0x36: {  	s15 =	smov.u32 s16;
	v1 =	vmin.u32 v2, $0xFFF;
	(pc) =	sbr.rel @p1 .LBB2_3-.Ltmp3, $3  }
0x37: {  	_ =	sdelay $0x1  }
0x38: {  	s17 =	sadd.s32 $0x10, s17  }
0x39: {  	vm1 =	vgt.s32 v0, $0x0;
	s16 =	sadd.s32 $0x10, s16;
	v2 =	vmov v0;
	(ifvalue) =	ssetifvalue $0x7FFFFFFF;
	v0 =	vld.msk [tilespmem:s17+$0x0 ss:$0x1], $0xffff  }
.Ltmp4:
0x3a: {  	_ = 	snop;
	(pc) =	sbr.rel .LBB2_4-.Ltmp4, $1  }
0x3b: {  	_ =	sdelay $0x3  }
.LBB2_6:
0x3c: {  	_ =	sfence.sel $0x180000  }
0x3d: {  	s2 =	simm.s32 $0x2;
	[bflag:$0x0] =	sbarrier.arrive $0xFFFF  }
0x3e: {  	s30 =	simm.s32 $0x3;
	[sflag:s2] =	ssyncpa.u1 $0x1  }
0x3f: {  	s31 =	simm.s32 $0x1;
	[sflag:s30] =	ssyncpa.u1 $0x1  }
0x40: {  	[sflag:s31] =	ssyncpa.u1 $0x1  }
0x41: {  	p0 =	sne.s32 s0, $0x0;
	_ =	strace $0x9000004A  }
0x42: {  	s0 =	sadd.s32 @!p0 $0x100000, s1;
	[bflag:$0x2] =	sbarrier.arrive $0xFFFF  }
0x43: {  	[sflag:s0] =	ssyncadd.tile.s32 @!p0 $0x1;
	_ =	shalt  }
.Lfunc_end2:
_tile_overlayer_lowered:
.L_overlay_start_2:
0x44: {  	(tag) =	ssettag $0x2  }
0x45: {  	s0 =	rddreg [dreg:$0x0];
	s2 =	stileid.u32  }
0x46: {  	s1 =	rddreg [dreg:$0x1];
	p0 =	sne.s32 s2, $0x0  }
0x47: {  	s3 =	rddreg [dreg:$0x2];
	[bflag:$0x3] =	sbarrier.arrive $0xFFFF;
	s2 =	simm.s32 @!p0 $0x1C01  }
0x48: {  	[timem:s3], [sflag:s2] =	dma.local @!p0 [hbm:s0], s1  }
0x49: {  	s0 =	simm.s32 @!p0 $0x1  }
0x4a: {  	_ =	swait.ge @!p0 [sflag:s0], s1  }
0x4b: {  	s1 =	ssub.s32 @!p0 $0x0, s1;
	[sflag:s0] =	ssyncset.done @!p0 $0x0  }
0x4c: {  	[sflag:s0] =	ssyncadd.s32 @!p0 s1  }
0x4d: {  	[bflag:$0x3] =	sbarrier.arrive $0xFFFF  }
0x4e: {  	_ =	shalt  }

// kernel: kernel.5.cloned.1.call-start
scs
__scs_entry_jumppad:
0x0: {  	(pc) =	sbr.rel $0x88, $3  }
0x1: {  	(tag) =	ssettag $0x0;
	lr =	simm.s32 $0x1  }
0x2: {  	[smem:$0x3F99] =	sst lr;
	_ =	strace $0xD0000000  }
0x3: {  	_ = 	snop  }
0x4: {  	_ = 	snop  }
0x5: {  	_ = 	snop  }
0x6: {  	_ = 	snop  }
0x7: {  	_ = 	snop  }
__scs_overlays_trampoline_lowered:
0x8: {  	[smem:$0x3FA8] =	sst s0  }
0x9: {  	[smem:$0x3FA9] =	sst s1  }
0xa: {  	[smem:$0x3FAA] =	sst s2  }
0xb: {  	[smem:$0x3FAB] =	sst s3  }
0xc: {  	[smem:$0x3FAC] =	sst s4  }
0xd: {  	[smem:$0x3FAD] =	sst s5  }
0xe: {  	[smem:$0x3FAE] =	sst s6  }
0xf: {  	[smem:$0x3FAF] =	sst s7  }
0x10: {  	[smem:$0x3FB0] =	sst s8  }
0x11: {  	[smem:$0x3FB1] =	sst s9;
	s0 =	simm.s32 @!p0 $0x0  }
0x12: {  	s1 =	sld [smem:$0x3F97];
	s0 =	simm.s32 @p0 $0x1  }
0x13: {  	[smem:$0x3FB2] =	sst s0;
	s0 =	simm.s32 @!p1 $0x0  }
0x14: {  	s2 =	sld [smem:$0x3F96];
	s0 =	simm.s32 @p1 $0x1  }
0x15: {  	[smem:$0x3FB3] =	sst s0;
	s0 =	simm.s32 @!p2 $0x0  }
0x16: {  	s3 =	sld [smem:$0x3FDB];
	s0 =	simm.s32 @p2 $0x1  }
0x17: {  	s4 =	simm.s32 $0x1BF5;
	[smem:$0x3FB5] =	sst s0  }
0x18: {  	s0 =	sld [smem:$0x3F98];
	_ =	swait.ge [sflag:s4], $0x0  }
0x19: {  	s7 =	sld [smem:$0x3F99]  }
0x1a: {  	s8 =	sadd.s32 $0xFFFFE003, lr  }
0x1b: {  	s9 =	sadd.s32 $0xFFFFFEF7, lr;
	s5 =	simm.s32 $0xFFFFFFFF;
	p2 =	slt.u32 s8, $0xFFFFF086  }
0x1c: {  	p1 =	slt.u32 s9, $0xF7A;
	s5 =	simm.s32 @!p2 $0x0  }
0x1d: {  	s5 =	simm.s32 @p1 $0x1;
	p0 =	seq.s32 s7, s2  }
0x1e: {  	s7 =	smul.u32 @!p0 $0xF7A, s2;
	p2 =	seq.s32 @!p0 s5, $0x0  }
0x1f: {  	s9 =	smul.u32 $0xF7A, s1;
	s8 =	simm.s32 @!p0 $0x1BF5;
	p2 =	por !p2, p0  }
0x20: {  	[sflag:s8] =	ssyncset.s32 @!p0 $0xFFFFF086;
	s6 =	sadd.s32 @!p0 s3, s7;
	s7 =	simm.s32 @!p0 $0x108  }
0x21: {  	s3 =	sadd.s32 s3, s9;
	s6 =	sadd.s32 @!p0 $0x88, s6;
	s7 =	simm.s32 @p2 $0x1082  }
0x22: {  	[simem:s7], [sflag:s8] =	dma.local @!p0 [hbm:s6], $0xF7A  }
0x23: {  	s9 =	sor.u32 $0xD0000000, s2;
	s6 =	simm.s32 $0x108;
	_ =	swait.ge @!p0 [sflag:s8], $0x0  }
0x24: {  	s3 =	sadd.s32 $0x88, s3;
	s6 =	simm.s32 @!p1 $0x1082;
	[sflag:s4] =	ssyncset.s32 $0xFFFFF086  }
0x25: {  	[simem:s6], [sflag:s4] =	dma.local [hbm:s3], $0xF7A  }
0x26: {  	[smem:$0x3F99] =	sst s1;
	(tag) =	ssettag s2;
	_ =	strace s9  }
0x27: {  	s1 =	sld [smem:$0x3FA9]  }
0x28: {  	s2 =	sld [smem:$0x3FAA]  }
0x29: {  	s4 =	sld [smem:$0x3FAC]  }
0x2a: {  	p0 =	seq.s32 s5, $0x0;
	s5 =	sld [smem:$0x3FAD]  }
0x2b: {  	s6 =	sld [smem:$0x3FAE]  }
0x2c: {  	s7 =	sld [smem:$0x3FAF]  }
0x2d: {  	s3 =	simm.s32 $0x108;
	s8 =	sld [smem:$0x3FB0]  }
0x2e: {  	s3 =	simm.s32 @!p0 $0x1082;
	s9 =	sld [smem:$0x3FB1]  }
0x2f: {  	lr =	sadd.s32 s0, s3;
	s0 =	sld [smem:$0x3FA8]  }
0x30: {  	s3 =	sld [smem:$0x3FAB]  }
0x31: {  	[smem:$0x3FB4] =	sst s10  }
0x32: {  	s10 =	sld [smem:$0x3FB2];
	_ =	sdelay $0x3  }
0x33: {  	p0 =	seq.s32 s10, $0x1;
	s10 =	sld [smem:$0x3FB4];
	_ =	sdelay $0x3  }
0x34: {  	[smem:$0x3FB4] =	sst s10  }
0x35: {  	s10 =	sld [smem:$0x3FB3];
	_ =	sdelay $0x3  }
0x36: {  	p1 =	seq.s32 s10, $0x1;
	s10 =	sld [smem:$0x3FB4];
	_ =	sdelay $0x3  }
0x37: {  	[smem:$0x3FB4] =	sst s10  }
0x38: {  	s10 =	sld [smem:$0x3FB5]  }
0x39: {  	_ = 	snop;
	(pc) =	sbr.ind lr, $3  }
0x3a: {  	_ = 	snop  }
0x3b: {  	_ = 	snop  }
0x3c: {  	p2 =	seq.s32 s10, $0x1;
	s10 =	sld [smem:$0x3FB4]  }
0x3d: {  	_ =	shalt  }
0x3e: {  	_ =	shalt  }
0x3f: {  	_ =	shalt  }
0x40: {  	_ =	shalt  }
0x41: {  	_ =	shalt  }
0x42: {  	_ =	shalt  }
0x43: {  	_ =	shalt  }
0x44: {  	_ =	shalt  }
0x45: {  	_ =	shalt  }
0x46: {  	_ =	shalt  }
0x47: {  	_ =	shalt  }
0x48: {  	_ =	shalt  }
0x49: {  	_ =	shalt  }
0x4a: {  	_ =	shalt  }
0x4b: {  	_ =	shalt  }
0x4c: {  	_ =	shalt  }
0x4d: {  	_ =	shalt  }
0x4e: {  	_ =	shalt  }
0x4f: {  	_ =	shalt  }
0x50: {  	_ =	shalt  }
0x51: {  	_ =	shalt  }
0x52: {  	_ =	shalt  }
0x53: {  	_ =	shalt  }
0x54: {  	_ =	shalt  }
0x55: {  	_ =	shalt  }
0x56: {  	_ =	shalt  }
0x57: {  	_ =	shalt  }
0x58: {  	_ =	shalt  }
0x59: {  	_ =	shalt  }
0x5a: {  	_ =	shalt  }
0x5b: {  	_ =	shalt  }
0x5c: {  	_ =	shalt  }
0x5d: {  	_ =	shalt  }
0x5e: {  	_ =	shalt  }
0x5f: {  	_ =	shalt  }
0x60: {  	_ =	shalt  }
0x61: {  	_ =	shalt  }
0x62: {  	_ =	shalt  }
0x63: {  	_ =	shalt  }
0x64: {  	_ =	shalt  }
0x65: {  	_ =	shalt  }
0x66: {  	_ =	shalt  }
0x67: {  	_ =	shalt  }
0x68: {  	_ =	shalt  }
0x69: {  	_ =	shalt  }
0x6a: {  	_ =	shalt  }
0x6b: {  	_ =	shalt  }
0x6c: {  	_ =	shalt  }
0x6d: {  	_ =	shalt  }
0x6e: {  	_ =	shalt  }
0x6f: {  	_ =	shalt  }
0x70: {  	_ =	shalt  }
0x71: {  	_ =	shalt  }
0x72: {  	_ =	shalt  }
0x73: {  	_ =	shalt  }
0x74: {  	_ =	shalt  }
0x75: {  	_ =	shalt  }
0x76: {  	_ =	shalt  }
0x77: {  	_ =	shalt  }
0x78: {  	_ =	shalt  }
0x79: {  	_ =	shalt  }
0x7a: {  	_ =	shalt  }
0x7b: {  	_ =	shalt  }
0x7c: {  	_ =	shalt  }
0x7d: {  	_ =	shalt  }
0x7e: {  	_ =	shalt  }
0x7f: {  	_ =	shalt  }
0x80: {  	_ =	shalt  }
0x81: {  	_ =	shalt  }
0x82: {  	_ =	shalt  }
0x83: {  	_ =	shalt  }
0x84: {  	_ =	shalt  }
0x85: {  	_ =	shalt  }
0x86: {  	_ =	shalt  }
0x87: {  	_ =	shalt  }
.Lfunc_end0:
.L_simem_size_0:
called_computation.2_lowered:
.L_overlay_start_0:
0x88: {  	s2 =	sld [smem:$0x3FD9]  }
0x89: {  	s3 =	sld [smem:$0x3FFE];
	_ =	sdelay $0x1  }
0x8a: {  	s1 =	srdreg.scid  }
0x8b: {  	s0 =	sand.u32 $0x1, s1  }
0x8c: {  	s17 =	sshll.u32 s0, $0xA;
	s2 =	sadd.s32 s3, s2  }
0x8d: {  	s2 =	sadd.s32 s2, s17  }
0x8e: {  	[smem:$0x3FC0] =	sst s2  }
0x8f: {  	_ = 	snop  }
0x90: {  	s2 =	sld [smem:$0x3FC9]  }
0x91: {  	s18 =	sld [smem:$0x3FD0];
	(tm) =	ssettm $0x1  }
0x92: {  	s4 =	sld [smem:$0x3FFB];
	_ =	sdelay $0x3  }
0x93: {  	_ =	strace s4  }
0x94: {  	s4 =	sld [smem:$0x3FFC];
	_ =	sdelay $0x3  }
0x95: {  	_ =	strace s4  }
0x96: {  	s4 =	sld [smem:$0x3FFD];
	_ =	sdelay $0x3  }
0x97: {  	_ =	strace s4  }
0x98: {  	_ =	strace $0x8FFFFFFF  }
0x99: {  	s19 =	sld [smem:$0x3FDB];
	_ =	sdelay $0x1  }
0x9a: {  	s5 =	simm.s32 $_scs_section_size  }
0x9b: {  	s6 =	simm.s32 $_size__tile_overlayer_lowered;
	s7 =	simm.s32 $_tile_overlayer_lowered  }
0x9c: {  	s22 =	simm.s32 $0x1BFF;
	s21 =	sshll.u32 s7, $0x1;
	s4 =	sadd.s32 s5, s19  }
0x9d: {  	s8 =	simm.s32 $0x0;
	s20 =	sshll.u32 s6, $0x1;
	s6 =	sadd.s32 s21, s4  }
0x9e: {  	[timem:s8], [sflag:s22] =	dma.local [hbm:s6], s20  }
0x9f: {  	_ =	swait.ge [sflag:s22], s20  }
0xa0: {  	s5 =	ssub.s32 $0x0, s20;
	[sflag:s22] =	ssyncset.done $0x0  }
0xa1: {  	[sflag:s22] =	ssyncadd.s32 s5;
	_ =	sdelay $0x1  }
0xa2: {  	s23 =	simm.s32 $0x1B8B  }
0xa3: {  	_ =	swait.ge [sflag:s23], $0x1  }
0xa4: {  	[sflag:s23] =	ssyncset.done $0x0  }
0xa5: {  	s25 =	simm.s32 $0x1B8E;
	s24 =	sld [smem:$0x3FFE];
	[sflag:s23] =	ssyncadd.s32 $0xFFFFFFFF  }
0xa6: {  	s26 =	simm.s32 $execute0_lowered;
	[smem:$0x3FD2] =	sst s25  }
0xa7: {  	s6 =	sshll.u32 s26, $0x1;
	_ =	strace $0x8000004C;
	[dreg:$0x1] =	wrdreg $0xFFFFFFFF  }
0xa8: {  	s28 =	simm.s32 $_size_execute0_lowered;
	s4 =	sadd.s32 s4, s6;
	[dreg:$0x0] =	wrdreg $0x0  }
0xa9: {  	s6 =	sshll.u32 s28, $0x1;
	[dreg:$0x2] =	wrdreg s4  }
0xaa: {  	[dreg:$0x3] =	wrdreg s6  }
0xab: {  	[dreg:$0x4] =	wrdreg $0xC0  }
0xac: {  	_ =	task [dreg:s8], $0x5FFFF  }
0xad: {  	[dreg:$0x1] =	wrdreg $0xFFFFFFFF  }
0xae: {  	[dreg:$0x0] =	wrdreg $0x60  }
0xaf: {  	[dreg:$0x2] =	wrdreg s2  }
0xb0: {  	[dreg:$0x3] =	wrdreg s18  }
0xb1: {  	[dreg:$0x4] =	wrdreg s24  }
0xb2: {  	[dreg:$0x5] =	wrdreg $0x9  }
0xb3: {  	_ =	task.clear_ibuf [dreg:s8], $0x6FFFF;
	_ =	strace $0x9000004C  }
0xb4: {  	s29 =	simm.s32 $0x9;
	_ =	strace $0x8000004E  }
0xb5: {  	_ =	swait.ge [sflag:s29], $0x1  }
0xb6: {  	[sflag:s29] =	ssyncadd.s32 $0xFFFFFFFF  }
0xb7: {  	_ =	strace $0x9000004E  }
0xb8: {  	_ =	sfence  }
0xb9: {  	s30 =	sld [smem:$0x0];
	_ =	sdelay $0x2  }
0xba: {  	s31 =	sshll.u32 s1, $0xD;
	s1 =	sshrl.u32 s1, $0x2  }
0xbb: {  	s3 =	sand.u32 $0x4000, s31;
	s1 =	sadd.s32 s1, s30  }
0xbc: {  	s0 =	sor.u32 s3, s0;
	s1 =	sshll.u32 s1, $0x11  }
0xbd: {  	s0 =	sor.u32 s1, s0  }
0xbe: {  	s0 =	sadd.s32 $0x8F2B, s0  }
0xbf: {  	[sflag:s0] =	ssyncadd.remote.s32 $0x1  }
0xc0: {  	_ =	sfence.sel $0xFFFF  }
0xc1: {  	[dreg:$0x0] =	wrdreg $0xFFFFFFFF;
	(pc) =	sbr.abs _section_cstart, $3  }
0xc2: {  	[dreg:$0x1] =	wrdreg $0xFFFFFFFF  }
0xc3: {  	_ =	task.clear_ibuf [dreg:s8], $0x2FFFF;
	_ =	strace $0x9FFFFFFF  }
0xc4: {  	(tm) =	ssettm $0x7FFFFFFF  }
0xc5: {  	_ =	shalt  }
tec
execute0_lowered:
.L_overlay_start_1:
0x0: {  	(tag) =	ssettag $0x1  }
0x1: {  	s2 =	rddreg [dreg:$0x0]  }
0x2: {  	s0 =	rddreg [dreg:$0x1]  }
0x3: {  	s1 =	rddreg [dreg:$0x2]  }
0x4: {  	s7 =	stileid.u32;
	s4 =	srdreg.scid;
	s3 =	simm.s32 $0x0  }
0x5: {  	s17 =	simm.s32 $0x980;
	s18 =	simm.s32 $0x1180;
	s19 =	simm.s32 $0x1980  }
0x6: {  	s20 =	simm.s32 $0x2180;
	s21 =	simm.s32 $0x2980;
	s22 =	simm.s32 $0x3180  }
0x7: {  	s24 =	simm.s32 $0x3980;
	s9 =	simm.s32 $0x2;
	[smem:$0x7FF] =	sst s3  }
0x8: {  	s25 =	simm.s32 $0x4180;
	_ =	strace $0x8000004D;
	[dreg:$0x5] =	wrdreg s17  }
0x9: {  	s10 =	simm.s32 $0x180;
	s26 =	simm.s32 $0x4980;
	[dreg:$0x6] =	wrdreg s18  }
0xa: {  	s11 =	simm.s32 $0x5180;
	s12 =	simm.s32 $0x5980;
	[dreg:$0x7] =	wrdreg s19  }
0xb: {  	s13 =	simm.s32 $0x6180;
	s28 =	simm.s32 $0xD180;
	[dreg:$0x8] =	wrdreg s20  }
0xc: {  	s29 =	simm.s32 $0xD980;
	s30 =	simm.s32 $0x1;
	[dreg:$0x9] =	wrdreg s21  }
0xd: {  	s31 =	simm.s32 $0x0;
	s5 =	smul.u32 $0x11800, s7;
	[dreg:$0xa] =	wrdreg s22  }
0xe: {  	s4 =	sand.u32 $0x1, s4;
	s14 =	sshll.u32 s7, $0x1;
	[dreg:$0xb] =	wrdreg s24  }
0xf: {  	s7 =	sadd.s32 $0x300, s2;
	s6 =	smul.u32 $0x8C00, s4;
	[dreg:$0xc] =	wrdreg s25  }
0x10: {  	s15 =	ssub.s32 $0x2, s4;
	s4 =	sor.u32 s4, s14;
	[dreg:$0xd] =	wrdreg s26  }
0x11: {  	s14 =	simm.s32 $0x6980;
	s17 =	simm.s32 $0x8180;
	s18 =	simm.s32 $0x8980  }
0x12: {  	s19 =	simm.s32 $0x9180;
	s20 =	simm.s32 $0x9980;
	s21 =	simm.s32 $0xA180  }
0x13: {  	s22 =	simm.s32 $0xA980;
	s24 =	simm.s32 $0xB980;
	s25 =	simm.s32 $0xC180  }
0x14: {  	s26 =	simm.s32 $0xC980;
	s1 =	sadd.s32 s5, s1;
	s16 =	sshrl.u32 s15, $0x1  }
0x15: {  	s4 =	smul.u32 $0x118, s4;
	s5 =	sadd.s32 $0x100, s2;
	s1 =	sadd.s32 s6, s1  }
0x16: {  	s8 =	ssub.s32 s15, s16;
	s6 =	sadd.s32 $0x200, s2;
	s1 =	sadd.s32 $0x600, s1  }
0x17: {  	v2 =	vlaneseq.u32;
	s4 =	sshrl.u32 s4, $0x3;
	s23 =	smax.u32 s8, $0x1;
	[dreg:$0x4] =	wrdreg s1  }
0x18: {  	vm0 =	vmmov $0xffff;
	v1 =	vshrl.u32 v2, $0x3;
	s15 =	simm.s32 $0x7180;
	s0 =	sadd.s32 s0, s4;
	[dreg:$0xf] =	wrdreg s23  }
0x19: {  	v0 =	vand.u32 $0x7, v2;
	v2 =	vor.u32 $0x8, v2;
	v1 =	vmul.u32 $0x8, v1;
	s16 =	simm.s32 $0x7980;
	s23 =	simm.s32 $0xB180;
	[dreg:$0xe] =	wrdreg s0  }
.LBB2_1:
0x1a: {  	s0 =	rddreg [dreg:$0xe]  }
0x1b: {  	[tilespmem:s3], [sflag:$0x2] =	stream.linear.gather [hbm4b:s0+s3], $0x118, $0x38;
	[tilespmem:$0xE180] =	vst v63  }
0x1c: {  	_ =	swait.ge [sflag:s9], $0x118  }
0x1d: {  	[sflag:s9] =	ssyncset.done $0x0  }
0x1e: {  	s1 =	simm.s32 $0x0;
	s0 =	simm.s32 $0x20;
	[sflag:s9] =	ssyncadd.s32 $0xFFFFFEE8  }
.LBB2_2:
0x1f: {  	v3 =	vld [tilespmem:s0+$0xFFFFFFE0];
	_ =	sdelay $0x4  }
0x20: {  	v4 =	vshll.u32 v3, $0x3  }
0x21: {  	v3 =	vand.u32 $0x7, v3;
	v4 =	vand.u32 $0xFFFFFFC0, v4  }
0x22: {  	v3 =	vor.u32 v3, v4  }
0x23: {  	v4 =	vperm.xlane v3, v0;
	_ =	sdelay $0x1  }
0x24: {  	v4 =	vadd.s32 v1, v4;
	_ =	sdelay $0x4  }
0x25: {  	[tilespmem:s10], [sflag:$0x1] =	stream.indirect_vreg.gather [hbm4b:s2+s3], $0x80, v4, vm0, $0xb8;
	[tilespmem:$0xE180] =	vst v63  }
0x26: {  	s4 =	rddreg [dreg:$0x5];
	v3 =	vperm.xlane v3, v2  }
0x27: {  	[tilespmem:s4], [sflag:$0x1] =	stream.indirect_vreg.gather [hbm4b:s5+s3], $0x80, v4, vm0, $0xb8;
	[tilespmem:$0xE180] =	vst v63  }
0x28: {  	s8 =	rddreg [dreg:$0x6];
	v3 =	vadd.s32 v1, v3  }
0x29: {  	[tilespmem:s8], [sflag:$0x1] =	stream.indirect_vreg.gather [hbm4b:s6+s3], $0x80, v4, vm0, $0xb8;
	[tilespmem:$0xE180] =	vst v63  }
0x2a: {  	s4 =	rddreg [dreg:$0x7]  }
0x2b: {  	[tilespmem:s4], [sflag:$0x1] =	stream.indirect_vreg.gather [hbm4b:s7+s3], $0x80, v4, vm0, $0xb8;
	[tilespmem:$0xE180] =	vst v63  }
0x2c: {  	s8 =	rddreg [dreg:$0x8]  }
0x2d: {  	[tilespmem:s8], [sflag:$0x1] =	stream.indirect_vreg.gather [hbm4b:s2+s3], $0x80, v3, vm0, $0xb8;
	[tilespmem:$0xE180] =	vst v63  }
0x2e: {  	s4 =	rddreg [dreg:$0x9]  }
0x2f: {  	[tilespmem:s4], [sflag:$0x1] =	stream.indirect_vreg.gather [hbm4b:s5+s3], $0x80, v3, vm0, $0xb8;
	[tilespmem:$0xE180] =	vst v63  }
0x30: {  	s8 =	rddreg [dreg:$0xa]  }
0x31: {  	[tilespmem:s8], [sflag:$0x1] =	stream.indirect_vreg.gather [hbm4b:s6+s3], $0x80, v3, vm0, $0xb8;
	[tilespmem:$0xE180] =	vst v63  }
0x32: {  	s4 =	rddreg [dreg:$0xb]  }
0x33: {  	[tilespmem:s4], [sflag:$0x1] =	stream.indirect_vreg.gather [hbm4b:s7+s3], $0x80, v3, vm0, $0xb8;
	[tilespmem:$0xE180] =	vst v63  }
0x34: {  	v3 =	vld [tilespmem:s0+$0xFFFFFFF0];
	_ =	sdelay $0x4  }
0x35: {  	v61 =	vshll.u32 v3, $0x3  }
0x36: {  	v3 =	vand.u32 $0x7, v3;
	v4 =	vand.u32 $0xFFFFFFC0, v61  }
0x37: {  	v3 =	vor.u32 v3, v4  }
0x38: {  	v4 =	vperm.xlane v3, v0;
	_ =	sdelay $0x1  }
0x39: {  	v4 =	vadd.s32 v1, v4;
	_ =	sdelay $0x3  }
0x3a: {  	s4 =	rddreg [dreg:$0xc]  }
0x3b: {  	[tilespmem:s4], [sflag:$0x1] =	stream.indirect_vreg.gather [hbm4b:s2+s3], $0x80, v4, vm0, $0xb8;
	[tilespmem:$0xE180] =	vst v63  }
0x3c: {  	s8 =	rddreg [dreg:$0xd];
	v3 =	vperm.xlane v3, v2  }
0x3d: {  	[tilespmem:s8], [sflag:$0x1] =	stream.indirect_vreg.gather [hbm4b:s5+s3], $0x80, v4, vm0, $0xb8;
	[tilespmem:$0xE180] =	vst v63  }
0x3e: {  	v3 =	vadd.s32 v1, v3  }
0x3f: {  	[tilespmem:s11], [sflag:$0x1] =	stream.indirect_vreg.gather [hbm4b:s6+s3], $0x80, v4, vm0, $0xb8;
	[tilespmem:$0xE180] =	vst v63  }
0x40: {  	_ = 	snop  }
0x41: {  	[tilespmem:s12], [sflag:$0x1] =	stream.indirect_vreg.gather [hbm4b:s7+s3], $0x80, v4, vm0, $0xb8;
	[tilespmem:$0xE180] =	vst v63  }
0x42: {  	_ = 	snop  }
0x43: {  	[tilespmem:s13], [sflag:$0x1] =	stream.indirect_vreg.gather [hbm4b:s2+s3], $0x80, v3, vm0, $0xb8;
	[tilespmem:$0xE180] =	vst v63  }
0x44: {  	_ = 	snop  }
0x45: {  	[tilespmem:s14], [sflag:$0x1] =	stream.indirect_vreg.gather [hbm4b:s5+s3], $0x80, v3, vm0, $0xb8;
	[tilespmem:$0xE180] =	vst v63  }
0x46: {  	_ = 	snop  }
0x47: {  	[tilespmem:s15], [sflag:$0x1] =	stream.indirect_vreg.gather [hbm4b:s6+s3], $0x80, v3, vm0, $0xb8;
	[tilespmem:$0xE180] =	vst v63  }
0x48: {  	_ = 	snop  }
0x49: {  	[tilespmem:s16], [sflag:$0x1] =	stream.indirect_vreg.gather [hbm4b:s7+s3], $0x80, v3, vm0, $0xb8;
	[tilespmem:$0xE180] =	vst v63  }
0x4a: {  	v3 =	vld [tilespmem:s0+$0x0];
	_ =	sdelay $0x4  }
0x4b: {  	v62 =	vshll.u32 v3, $0x3  }
0x4c: {  	v3 =	vand.u32 $0x7, v3;
	v4 =	vand.u32 $0xFFFFFFC0, v62  }
0x4d: {  	v3 =	vor.u32 v3, v4  }
0x4e: {  	v4 =	vperm.xlane v3, v0;
	_ =	sdelay $0x1  }
0x4f: {  	v4 =	vadd.s32 v1, v4;
	_ =	sdelay $0x4  }
0x50: {  	[tilespmem:s17], [sflag:$0x1] =	stream.indirect_vreg.gather [hbm4b:s2+s3], $0x80, v4, vm0, $0xb8;
	[tilespmem:$0xE180] =	vst v63  }
0x51: {  	v3 =	vperm.xlane v3, v2  }
0x52: {  	[tilespmem:s18], [sflag:$0x1] =	stream.indirect_vreg.gather [hbm4b:s5+s3], $0x80, v4, vm0, $0xb8;
	[tilespmem:$0xE180] =	vst v63  }
0x53: {  	v3 =	vadd.s32 v1, v3  }
0x54: {  	[tilespmem:s19], [sflag:$0x1] =	stream.indirect_vreg.gather [hbm4b:s6+s3], $0x80, v4, vm0, $0xb8;
	[tilespmem:$0xE180] =	vst v63  }
0x55: {  	_ = 	snop  }
0x56: {  	[tilespmem:s20], [sflag:$0x1] =	stream.indirect_vreg.gather [hbm4b:s7+s3], $0x80, v4, vm0, $0xb8;
	[tilespmem:$0xE180] =	vst v63  }
0x57: {  	_ = 	snop  }
0x58: {  	[tilespmem:s21], [sflag:$0x1] =	stream.indirect_vreg.gather [hbm4b:s2+s3], $0x80, v3, vm0, $0xb8;
	[tilespmem:$0xE180] =	vst v63  }
0x59: {  	_ = 	snop  }
0x5a: {  	[tilespmem:s22], [sflag:$0x1] =	stream.indirect_vreg.gather [hbm4b:s5+s3], $0x80, v3, vm0, $0xb8;
	[tilespmem:$0xE180] =	vst v63  }
0x5b: {  	_ = 	snop  }
0x5c: {  	[tilespmem:s23], [sflag:$0x1] =	stream.indirect_vreg.gather [hbm4b:s6+s3], $0x80, v3, vm0, $0xb8;
	[tilespmem:$0xE180] =	vst v63  }
0x5d: {  	_ = 	snop  }
0x5e: {  	[tilespmem:s24], [sflag:$0x1] =	stream.indirect_vreg.gather [hbm4b:s7+s3], $0x80, v3, vm0, $0xb8;
	[tilespmem:$0xE180] =	vst v63  }
0x5f: {  	v3 =	vld.msk [tilespmem:s0+$0x10], $0xff;
	_ =	sdelay $0x4  }
0x60: {  	v63 =	vshll.u32 v3, $0x3  }
0x61: {  	v3 =	vand.u32 $0x7, v3;
	v4 =	vand.u32 $0xFFFFFFC0, v63  }
0x62: {  	v3 =	vor.u32 v3, v4  }
0x63: {  	v3 =	vperm.xlane v3, v0;
	_ =	sdelay $0x1  }
0x64: {  	v3 =	vadd.s32 v1, v3;
	_ =	sdelay $0x4  }
0x65: {  	[tilespmem:s25], [sflag:$0x1] =	stream.indirect_vreg.gather [hbm4b:s2+s3], $0x80, v3, vm0, $0xb8;
	[tilespmem:$0xE180] =	vst v63  }
0x66: {  	_ = 	snop  }
0x67: {  	[tilespmem:s26], [sflag:$0x1] =	stream.indirect_vreg.gather [hbm4b:s5+s3], $0x80, v3, vm0, $0xb8;
	[tilespmem:$0xE180] =	vst v63  }
0x68: {  	_ = 	snop  }
0x69: {  	[tilespmem:s28], [sflag:$0x1] =	stream.indirect_vreg.gather [hbm4b:s6+s3], $0x80, v3, vm0, $0xb8;
	[tilespmem:$0xE180] =	vst v63  }
0x6a: {  	_ = 	snop  }
0x6b: {  	[tilespmem:s29], [sflag:$0x1] =	stream.indirect_vreg.gather [hbm4b:s7+s3], $0x80, v3, vm0, $0xb8;
	[tilespmem:$0xE180] =	vst v63  }
0x6c: {  	_ =	swait.ge [sflag:s30], $0xE000  }
0x6d: {  	p0 =	sne.s32 s1, $0x7000;
	s8 =	rddreg [dreg:$0x4];
	[sflag:s30] =	ssyncset.done $0x0  }
.Ltmp0:
0x6e: {  	[sflag:s30] =	ssyncadd.s32 $0xFFFF2000;
	s4 =	sadd.s32 s1, s8;
	(pc) =	sbr.rel @p0 .LBB2_2-.Ltmp0, $4  }
0x6f: {  	[hbm4b:s4+s3] =	stream.linear.scatter [tilespmem:s10], [sflag:$0x2], $0xE000, $0x38;
	[tilespmem:$0xE180] =	vst v63  }
0x70: {  	_ =	swait.ge [sflag:s9], $0xE000  }
0x71: {  	[sflag:s9] =	ssyncset.done $0x0  }
0x72: {  	s0 =	sadd.s32 $0x38, s0;
	s1 =	sadd.s32 $0x1C00, s1;
	[sflag:s9] =	ssyncadd.s32 $0xFFFF2000  }
0x73: {  	s31 =	sadd.s32 $0x1, s31;
	s0 =	rddreg [dreg:$0xf]  }
0x74: {  	p0 =	sne.s32 s31, s0  }
.Ltmp1:
0x75: {  	_ = 	snop;
	(pc) =	sbr.rel @p0 .LBB2_1-.Ltmp1, $1  }
0x76: {  	_ =	sdelay $0x3  }
0x77: {  	_ =	sfence.sel $0x180000  }
0x78: {  	[bflag:$0x0] =	sbarrier.arrive $0xFFFF  }
0x79: {  	_ =	strace $0x9000004D  }
0x7a: {  	s0 =	stileid.u32;
	[bflag:$0x2] =	sbarrier.arrive $0xFFFF  }
0x7b: {  	p0 =	sne.s32 s0, $0x0;
	s0 =	rddreg [dreg:$0x3]  }
0x7c: {  	s0 =	sadd.s32 @!p0 $0x100000, s0  }
0x7d: {  	[sflag:s0] =	ssyncadd.tile.s32 @!p0 $0x1;
	_ =	shalt  }
.Lfunc_end2:
_tile_overlayer_lowered:
.L_overlay_start_2:
0x7e: {  	(tag) =	ssettag $0x2  }
0x7f: {  	s0 =	rddreg [dreg:$0x0];
	s2 =	stileid.u32  }
0x80: {  	s1 =	rddreg [dreg:$0x1];
	p0 =	sne.s32 s2, $0x0  }
0x81: {  	s3 =	rddreg [dreg:$0x2];
	[bflag:$0x3] =	sbarrier.arrive $0xFFFF;
	s2 =	simm.s32 @!p0 $0x1C02  }
0x82: {  	[timem:s3], [sflag:s2] =	dma.local @!p0 [hbm:s0], s1  }
0x83: {  	s0 =	simm.s32 @!p0 $0x2  }
0x84: {  	_ =	swait.ge @!p0 [sflag:s0], s1  }
0x85: {  	s1 =	ssub.s32 @!p0 $0x0, s1;
	[sflag:s0] =	ssyncset.done @!p0 $0x0  }
0x86: {  	[sflag:s0] =	ssyncadd.s32 @!p0 s1  }
0x87: {  	[bflag:$0x3] =	sbarrier.arrive $0xFFFF  }
0x88: {  	_ =	shalt  }

// kernel: kernel.8.cloned.1.call-start
scs
__scs_entry_jumppad:
0x0: {  	(pc) =	sbr.rel $0x88, $3  }
0x1: {  	(tag) =	ssettag $0x0;
	lr =	simm.s32 $0x1  }
0x2: {  	[smem:$0x3F99] =	sst lr;
	_ =	strace $0xD0000000  }
0x3: {  	_ = 	snop  }
0x4: {  	_ = 	snop  }
0x5: {  	_ = 	snop  }
0x6: {  	_ = 	snop  }
0x7: {  	_ = 	snop  }
__scs_overlays_trampoline_lowered:
0x8: {  	[smem:$0x3FA8] =	sst s0  }
0x9: {  	[smem:$0x3FA9] =	sst s1  }
0xa: {  	[smem:$0x3FAA] =	sst s2  }
0xb: {  	[smem:$0x3FAB] =	sst s3  }
0xc: {  	[smem:$0x3FAC] =	sst s4  }
0xd: {  	[smem:$0x3FAD] =	sst s5  }
0xe: {  	[smem:$0x3FAE] =	sst s6  }
0xf: {  	[smem:$0x3FAF] =	sst s7  }
0x10: {  	[smem:$0x3FB0] =	sst s8  }
0x11: {  	[smem:$0x3FB1] =	sst s9;
	s0 =	simm.s32 @!p0 $0x0  }
0x12: {  	s1 =	sld [smem:$0x3F97];
	s0 =	simm.s32 @p0 $0x1  }
0x13: {  	[smem:$0x3FB2] =	sst s0;
	s0 =	simm.s32 @!p1 $0x0  }
0x14: {  	s2 =	sld [smem:$0x3F96];
	s0 =	simm.s32 @p1 $0x1  }
0x15: {  	[smem:$0x3FB3] =	sst s0;
	s0 =	simm.s32 @!p2 $0x0  }
0x16: {  	s3 =	sld [smem:$0x3FDB];
	s0 =	simm.s32 @p2 $0x1  }
0x17: {  	s4 =	simm.s32 $0x1BF5;
	[smem:$0x3FB5] =	sst s0  }
0x18: {  	s0 =	sld [smem:$0x3F98];
	_ =	swait.ge [sflag:s4], $0x0  }
0x19: {  	s7 =	sld [smem:$0x3F99]  }
0x1a: {  	s8 =	sadd.s32 $0xFFFFE003, lr  }
0x1b: {  	s9 =	sadd.s32 $0xFFFFFEF7, lr;
	s5 =	simm.s32 $0xFFFFFFFF;
	p2 =	slt.u32 s8, $0xFFFFF086  }
0x1c: {  	p1 =	slt.u32 s9, $0xF7A;
	s5 =	simm.s32 @!p2 $0x0  }
0x1d: {  	s5 =	simm.s32 @p1 $0x1;
	p0 =	seq.s32 s7, s2  }
0x1e: {  	s7 =	smul.u32 @!p0 $0xF7A, s2;
	p2 =	seq.s32 @!p0 s5, $0x0  }
0x1f: {  	s9 =	smul.u32 $0xF7A, s1;
	s8 =	simm.s32 @!p0 $0x1BF5;
	p2 =	por !p2, p0  }
0x20: {  	[sflag:s8] =	ssyncset.s32 @!p0 $0xFFFFF086;
	s6 =	sadd.s32 @!p0 s3, s7;
	s7 =	simm.s32 @!p0 $0x108  }
0x21: {  	s3 =	sadd.s32 s3, s9;
	s6 =	sadd.s32 @!p0 $0x88, s6;
	s7 =	simm.s32 @p2 $0x1082  }
0x22: {  	[simem:s7], [sflag:s8] =	dma.local @!p0 [hbm:s6], $0xF7A  }
0x23: {  	s9 =	sor.u32 $0xD0000000, s2;
	s6 =	simm.s32 $0x108;
	_ =	swait.ge @!p0 [sflag:s8], $0x0  }
0x24: {  	s3 =	sadd.s32 $0x88, s3;
	s6 =	simm.s32 @!p1 $0x1082;
	[sflag:s4] =	ssyncset.s32 $0xFFFFF086  }
0x25: {  	[simem:s6], [sflag:s4] =	dma.local [hbm:s3], $0xF7A  }
0x26: {  	[smem:$0x3F99] =	sst s1;
	(tag) =	ssettag s2;
	_ =	strace s9  }
0x27: {  	s1 =	sld [smem:$0x3FA9]  }
0x28: {  	s2 =	sld [smem:$0x3FAA]  }
0x29: {  	s4 =	sld [smem:$0x3FAC]  }
0x2a: {  	p0 =	seq.s32 s5, $0x0;
	s5 =	sld [smem:$0x3FAD]  }
0x2b: {  	s6 =	sld [smem:$0x3FAE]  }
0x2c: {  	s7 =	sld [smem:$0x3FAF]  }
0x2d: {  	s3 =	simm.s32 $0x108;
	s8 =	sld [smem:$0x3FB0]  }
0x2e: {  	s3 =	simm.s32 @!p0 $0x1082;
	s9 =	sld [smem:$0x3FB1]  }
0x2f: {  	lr =	sadd.s32 s0, s3;
	s0 =	sld [smem:$0x3FA8]  }
0x30: {  	s3 =	sld [smem:$0x3FAB]  }
0x31: {  	[smem:$0x3FB4] =	sst s10  }
0x32: {  	s10 =	sld [smem:$0x3FB2];
	_ =	sdelay $0x3  }
0x33: {  	p0 =	seq.s32 s10, $0x1;
	s10 =	sld [smem:$0x3FB4];
	_ =	sdelay $0x3  }
0x34: {  	[smem:$0x3FB4] =	sst s10  }
0x35: {  	s10 =	sld [smem:$0x3FB3];
	_ =	sdelay $0x3  }
0x36: {  	p1 =	seq.s32 s10, $0x1;
	s10 =	sld [smem:$0x3FB4];
	_ =	sdelay $0x3  }
0x37: {  	[smem:$0x3FB4] =	sst s10  }
0x38: {  	s10 =	sld [smem:$0x3FB5]  }
0x39: {  	_ = 	snop;
	(pc) =	sbr.ind lr, $3  }
0x3a: {  	_ = 	snop  }
0x3b: {  	_ = 	snop  }
0x3c: {  	p2 =	seq.s32 s10, $0x1;
	s10 =	sld [smem:$0x3FB4]  }
0x3d: {  	_ =	shalt  }
0x3e: {  	_ =	shalt  }
0x3f: {  	_ =	shalt  }
0x40: {  	_ =	shalt  }
0x41: {  	_ =	shalt  }
0x42: {  	_ =	shalt  }
0x43: {  	_ =	shalt  }
0x44: {  	_ =	shalt  }
0x45: {  	_ =	shalt  }
0x46: {  	_ =	shalt  }
0x47: {  	_ =	shalt  }
0x48: {  	_ =	shalt  }
0x49: {  	_ =	shalt  }
0x4a: {  	_ =	shalt  }
0x4b: {  	_ =	shalt  }
0x4c: {  	_ =	shalt  }
0x4d: {  	_ =	shalt  }
0x4e: {  	_ =	shalt  }
0x4f: {  	_ =	shalt  }
0x50: {  	_ =	shalt  }
0x51: {  	_ =	shalt  }
0x52: {  	_ =	shalt  }
0x53: {  	_ =	shalt  }
0x54: {  	_ =	shalt  }
0x55: {  	_ =	shalt  }
0x56: {  	_ =	shalt  }
0x57: {  	_ =	shalt  }
0x58: {  	_ =	shalt  }
0x59: {  	_ =	shalt  }
0x5a: {  	_ =	shalt  }
0x5b: {  	_ =	shalt  }
0x5c: {  	_ =	shalt  }
0x5d: {  	_ =	shalt  }
0x5e: {  	_ =	shalt  }
0x5f: {  	_ =	shalt  }
0x60: {  	_ =	shalt  }
0x61: {  	_ =	shalt  }
0x62: {  	_ =	shalt  }
0x63: {  	_ =	shalt  }
0x64: {  	_ =	shalt  }
0x65: {  	_ =	shalt  }
0x66: {  	_ =	shalt  }
0x67: {  	_ =	shalt  }
0x68: {  	_ =	shalt  }
0x69: {  	_ =	shalt  }
0x6a: {  	_ =	shalt  }
0x6b: {  	_ =	shalt  }
0x6c: {  	_ =	shalt  }
0x6d: {  	_ =	shalt  }
0x6e: {  	_ =	shalt  }
0x6f: {  	_ =	shalt  }
0x70: {  	_ =	shalt  }
0x71: {  	_ =	shalt  }
0x72: {  	_ =	shalt  }
0x73: {  	_ =	shalt  }
0x74: {  	_ =	shalt  }
0x75: {  	_ =	shalt  }
0x76: {  	_ =	shalt  }
0x77: {  	_ =	shalt  }
0x78: {  	_ =	shalt  }
0x79: {  	_ =	shalt  }
0x7a: {  	_ =	shalt  }
0x7b: {  	_ =	shalt  }
0x7c: {  	_ =	shalt  }
0x7d: {  	_ =	shalt  }
0x7e: {  	_ =	shalt  }
0x7f: {  	_ =	shalt  }
0x80: {  	_ =	shalt  }
0x81: {  	_ =	shalt  }
0x82: {  	_ =	shalt  }
0x83: {  	_ =	shalt  }
0x84: {  	_ =	shalt  }
0x85: {  	_ =	shalt  }
0x86: {  	_ =	shalt  }
0x87: {  	_ =	shalt  }
.Lfunc_end0:
.L_simem_size_0:
called_computation.3_lowered:
.L_overlay_start_0:
0x88: {  	s2 =	sld [smem:$0x3FD9]  }
0x89: {  	s3 =	sld [smem:$0x3FFE];
	_ =	sdelay $0x1  }
0x8a: {  	s1 =	srdreg.scid  }
0x8b: {  	s0 =	sand.u32 $0x1, s1  }
0x8c: {  	s16 =	sshll.u32 s0, $0xA;
	s2 =	sadd.s32 s3, s2  }
0x8d: {  	s2 =	sadd.s32 s2, s16  }
0x8e: {  	[smem:$0x3FC0] =	sst s2  }
0x8f: {  	_ = 	snop  }
0x90: {  	(tm) =	ssettm $0x1  }
0x91: {  	s17 =	sld [smem:$0x3FFB];
	_ =	sdelay $0x3  }
0x92: {  	_ =	strace s17  }
0x93: {  	s2 =	sld [smem:$0x3FFC];
	_ =	sdelay $0x3  }
0x94: {  	_ =	strace s2  }
0x95: {  	s2 =	sld [smem:$0x3FFD];
	_ =	sdelay $0x3  }
0x96: {  	_ =	strace s2  }
0x97: {  	_ =	strace $0x8FFFFFFF  }
0x98: {  	s18 =	sld [smem:$0x3FDB];
	_ =	sdelay $0x1  }
0x99: {  	s19 =	simm.s32 $_scs_section_size  }
0x9a: {  	s4 =	simm.s32 $_size__tile_overlayer_lowered;
	s5 =	simm.s32 $_tile_overlayer_lowered  }
0x9b: {  	s22 =	simm.s32 $0x1BFF;
	s21 =	sshll.u32 s5, $0x1;
	s2 =	sadd.s32 s19, s18  }
0x9c: {  	s6 =	simm.s32 $0x0;
	s20 =	sshll.u32 s4, $0x1;
	s4 =	sadd.s32 s21, s2  }
0x9d: {  	[timem:s6], [sflag:s22] =	dma.local [hbm:s4], s20  }
0x9e: {  	_ =	swait.ge [sflag:s22], s20  }
0x9f: {  	s3 =	ssub.s32 $0x0, s20;
	[sflag:s22] =	ssyncset.done $0x0  }
0xa0: {  	[sflag:s22] =	ssyncadd.s32 s3;
	_ =	sdelay $0x1  }
0xa1: {  	s23 =	simm.s32 $0x1B8B  }
0xa2: {  	_ =	swait.ge [sflag:s23], $0x1  }
0xa3: {  	[sflag:s23] =	ssyncset.done $0x0  }
0xa4: {  	s25 =	simm.s32 $0x1B8E;
	s24 =	sld [smem:$0x3FFE];
	[sflag:s23] =	ssyncadd.s32 $0xFFFFFFFF  }
0xa5: {  	s26 =	simm.s32 $execute0_lowered;
	[smem:$0x3FD2] =	sst s25  }
0xa6: {  	s4 =	sshll.u32 s26, $0x1;
	_ =	strace $0x8000004F;
	[dreg:$0x1] =	wrdreg $0xFFFFFFFF  }
0xa7: {  	s28 =	simm.s32 $_size_execute0_lowered;
	s2 =	sadd.s32 s2, s4;
	[dreg:$0x0] =	wrdreg $0x0  }
0xa8: {  	s4 =	sshll.u32 s28, $0x1;
	[dreg:$0x2] =	wrdreg s2  }
0xa9: {  	[dreg:$0x3] =	wrdreg s4  }
0xaa: {  	[dreg:$0x4] =	wrdreg $0xC0  }
0xab: {  	_ =	task [dreg:s6], $0x5FFFF  }
0xac: {  	[dreg:$0x1] =	wrdreg $0xFFFFFFFF  }
0xad: {  	[dreg:$0x0] =	wrdreg $0x60  }
0xae: {  	[dreg:$0x2] =	wrdreg s24  }
0xaf: {  	[dreg:$0x3] =	wrdreg $0x9  }
0xb0: {  	_ =	task.clear_ibuf [dreg:s6], $0x4FFFF;
	_ =	strace $0x9000004F  }
0xb1: {  	s29 =	simm.s32 $0x9;
	_ =	strace $0x80000051  }
0xb2: {  	_ =	swait.ge [sflag:s29], $0x1  }
0xb3: {  	[sflag:s29] =	ssyncadd.s32 $0xFFFFFFFF  }
0xb4: {  	_ =	strace $0x90000051  }
0xb5: {  	_ =	sfence  }
0xb6: {  	s30 =	sld [smem:$0x0];
	_ =	sdelay $0x2  }
0xb7: {  	s31 =	sshll.u32 s1, $0xD;
	s1 =	sshrl.u32 s1, $0x2  }
0xb8: {  	s3 =	sand.u32 $0x4000, s31;
	s1 =	sadd.s32 s1, s30  }
0xb9: {  	s0 =	sor.u32 s3, s0;
	s1 =	sshll.u32 s1, $0x11  }
0xba: {  	s0 =	sor.u32 s1, s0  }
0xbb: {  	s0 =	sadd.s32 $0x8F2B, s0  }
0xbc: {  	[sflag:s0] =	ssyncadd.remote.s32 $0x1  }
0xbd: {  	_ =	sfence.sel $0xFFFF  }
0xbe: {  	[dreg:$0x0] =	wrdreg $0xFFFFFFFF;
	(pc) =	sbr.abs _section_cstart, $3  }
0xbf: {  	[dreg:$0x1] =	wrdreg $0xFFFFFFFF  }
0xc0: {  	_ =	task.clear_ibuf [dreg:s6], $0x2FFFF;
	_ =	strace $0x9FFFFFFF  }
0xc1: {  	(tm) =	ssettm $0x7FFFFFFF  }
tec
execute0_lowered:
.L_overlay_start_1:
0x0: {  	(tag) =	ssettag $0x1  }
0x1: {  	s6 =	rddreg [dreg:$0x0]  }
0x2: {  	s0 =	srdreg.scid;
	s1 =	stileid.u32;
	s3 =	simm.s32 $0x0  }
0x3: {  	s11 =	simm.s32 $0x2;
	s12 =	simm.s32 $0x80;
	s21 =	simm.s32 $0x1  }
0x4: {  	s13 =	simm.s32 $0x6880;
	s14 =	simm.s32 $0x7080;
	s15 =	simm.s32 $0x7880  }
0x5: {  	s16 =	simm.s32 $0x8080;
	s17 =	simm.s32 $0x8880;
	s18 =	simm.s32 $0x9080  }
0x6: {  	s19 =	simm.s32 $0x9880;
	s20 =	simm.s32 $0xA080;
	s24 =	simm.s32 $0xA880  }
0x7: {  	s25 =	simm.s32 $0xB080;
	s23 =	simm.s32 $0xC080;
	s28 =	simm.s32 $0xC880  }
0x8: {  	s29 =	simm.s32 $0xD080;
	s30 =	simm.s32 $0xD880;
	s31 =	simm.s32 $0xE080  }
0x9: {  	s0 =	sand.u32 $0x1, s0;
	[smem:$0x7FF] =	sst s3;
	s5 =	sadd.s32 $0x118800, s6  }
0xa: {  	s1 =	sshll.u32 s1, $0x8;
	s7 =	sadd.s32 $0x118900, s6;
	s8 =	sadd.s32 $0x118A00, s6  }
0xb: {  	s9 =	sadd.s32 $0x118B00, s6;
	s2 =	sshll.u32 s0, $0x7;
	s0 =	ssub.s32 $0x2, s0  }
0xc: {  	_ =	strace $0x80000050;
	s4 =	sor.u32 s2, s1;
	s26 =	sshrl.u32 s0, $0x1  }
0xd: {  	s2 =	simm.s32 $0x6080;
	s1 =	sshrl.u32 s4, $0x3;
	s0 =	ssub.s32 s0, s26  }
0xe: {  	v2 =	vlaneseq.u32;
	s26 =	simm.s32 $0xB880;
	s1 =	sadd.s32 s1, s6;
	s0 =	smax.u32 s0, $0x1  }
0xf: {  	vm0 =	vmmov $0xffff;
	v1 =	vshrl.u32 v2, $0x3;
	s6 =	simm.s32 $0xF880;
	s1 =	sadd.s32 $0x118600, s1;
	[dreg:$0x3] =	wrdreg s0  }
0x10: {  	v0 =	vand.u32 $0x7, v2;
	v2 =	vor.u32 $0x8, v2;
	v1 =	vmul.u32 $0x8, v1;
	s0 =	simm.s32 $0x0;
	[dreg:$0x2] =	wrdreg s1;
	s1 =	simm.s32 $0xF080  }
.LBB2_1:
0x11: {  	[dreg:$0x4] =	wrdreg s0  }
0x12: {  	s22 =	rddreg [dreg:$0x2]  }
0x13: {  	[tilespmem:s3], [sflag:$0x2] =	stream.linear.gather [hbm4b:s22+s3], $0x80, $0x38;
	[tilespmem:$0x10080] =	vst v63  }
0x14: {  	_ =	swait.ge [sflag:s11], $0x80  }
0x15: {  	p0 =	por $0x1, $0x1;
	[sflag:s11] =	ssyncset.done $0x0  }
0x16: {  	s0 =	simm.s32 $0xE880;
	s22 =	simm.s32 $0x0;
	[sflag:s11] =	ssyncadd.s32 $0xFFFFFF80  }
.LBB2_2:
0x17: {  	v3 =	vld [tilespmem:s22+$0x0];
	_ =	sdelay $0x4  }
0x18: {  	v4 =	vshll.u32 v3, $0x3  }
0x19: {  	v3 =	vand.u32 $0x7, v3;
	v4 =	vand.u32 $0xFFFFFFC0, v4  }
0x1a: {  	v3 =	vor.u32 v3, v4  }
0x1b: {  	v4 =	vperm.xlane v3, v0;
	_ =	sdelay $0x1  }
0x1c: {  	v4 =	vadd.s32 v1, v4;
	_ =	sdelay $0x4  }
0x1d: {  	[tilespmem:s12], [sflag:$0x1] =	stream.indirect_vreg.gather [hbm4b:s5+s3], $0x80, v4, vm0, $0xb8;
	[tilespmem:$0x10080] =	vst v63  }
0x1e: {  	s10 =	simm.s32 $0x880;
	v3 =	vperm.xlane v3, v2  }
0x1f: {  	[tilespmem:s10], [sflag:$0x1] =	stream.indirect_vreg.gather [hbm4b:s7+s3], $0x80, v4, vm0, $0xb8;
	[tilespmem:$0x10080] =	vst v63  }
0x20: {  	v3 =	vadd.s32 v1, v3;
	s10 =	simm.s32 $0x1080  }
0x21: {  	[tilespmem:s10], [sflag:$0x1] =	stream.indirect_vreg.gather [hbm4b:s8+s3], $0x80, v4, vm0, $0xb8;
	[tilespmem:$0x10080] =	vst v63  }
0x22: {  	s10 =	simm.s32 $0x1880  }
0x23: {  	[tilespmem:s10], [sflag:$0x1] =	stream.indirect_vreg.gather [hbm4b:s9+s3], $0x80, v4, vm0, $0xb8;
	[tilespmem:$0x10080] =	vst v63  }
0x24: {  	s10 =	simm.s32 $0x2080  }
0x25: {  	[tilespmem:s10], [sflag:$0x1] =	stream.indirect_vreg.gather [hbm4b:s5+s3], $0x80, v3, vm0, $0xb8;
	[tilespmem:$0x10080] =	vst v63  }
0x26: {  	s10 =	simm.s32 $0x2880  }
0x27: {  	[tilespmem:s10], [sflag:$0x1] =	stream.indirect_vreg.gather [hbm4b:s7+s3], $0x80, v3, vm0, $0xb8;
	[tilespmem:$0x10080] =	vst v63  }
0x28: {  	s10 =	simm.s32 $0x3080  }
0x29: {  	[tilespmem:s10], [sflag:$0x1] =	stream.indirect_vreg.gather [hbm4b:s8+s3], $0x80, v3, vm0, $0xb8;
	[tilespmem:$0x10080] =	vst v63  }
0x2a: {  	s10 =	simm.s32 $0x3880  }
0x2b: {  	[tilespmem:s10], [sflag:$0x1] =	stream.indirect_vreg.gather [hbm4b:s9+s3], $0x80, v3, vm0, $0xb8;
	[tilespmem:$0x10080] =	vst v63  }
0x2c: {  	v3 =	vld [tilespmem:s22+$0x10];
	_ =	sdelay $0x4  }
0x2d: {  	v61 =	vshll.u32 v3, $0x3  }
0x2e: {  	v3 =	vand.u32 $0x7, v3;
	v4 =	vand.u32 $0xFFFFFFC0, v61  }
0x2f: {  	v3 =	vor.u32 v3, v4  }
0x30: {  	v4 =	vperm.xlane v3, v0;
	_ =	sdelay $0x1  }
0x31: {  	v4 =	vadd.s32 v1, v4;
	_ =	sdelay $0x3  }
0x32: {  	s10 =	simm.s32 $0x4080  }
0x33: {  	[tilespmem:s10], [sflag:$0x1] =	stream.indirect_vreg.gather [hbm4b:s5+s3], $0x80, v4, vm0, $0xb8;
	[tilespmem:$0x10080] =	vst v63  }
0x34: {  	v3 =	vperm.xlane v3, v2;
	s10 =	simm.s32 $0x4880  }
0x35: {  	[tilespmem:s10], [sflag:$0x1] =	stream.indirect_vreg.gather [hbm4b:s7+s3], $0x80, v4, vm0, $0xb8;
	[tilespmem:$0x10080] =	vst v63  }
0x36: {  	v3 =	vadd.s32 v1, v3;
	s10 =	simm.s32 $0x5080  }
0x37: {  	[tilespmem:s10], [sflag:$0x1] =	stream.indirect_vreg.gather [hbm4b:s8+s3], $0x80, v4, vm0, $0xb8;
	[tilespmem:$0x10080] =	vst v63  }
0x38: {  	s10 =	simm.s32 $0x5880  }
0x39: {  	[tilespmem:s10], [sflag:$0x1] =	stream.indirect_vreg.gather [hbm4b:s9+s3], $0x80, v4, vm0, $0xb8;
	[tilespmem:$0x10080] =	vst v63  }
0x3a: {  	_ = 	snop  }
0x3b: {  	[tilespmem:s2], [sflag:$0x1] =	stream.indirect_vreg.gather [hbm4b:s5+s3], $0x80, v3, vm0, $0xb8;
	[tilespmem:$0x10080] =	vst v63  }
0x3c: {  	_ = 	snop  }
0x3d: {  	[tilespmem:s13], [sflag:$0x1] =	stream.indirect_vreg.gather [hbm4b:s7+s3], $0x80, v3, vm0, $0xb8;
	[tilespmem:$0x10080] =	vst v63  }
0x3e: {  	_ = 	snop  }
0x3f: {  	[tilespmem:s14], [sflag:$0x1] =	stream.indirect_vreg.gather [hbm4b:s8+s3], $0x80, v3, vm0, $0xb8;
	[tilespmem:$0x10080] =	vst v63  }
0x40: {  	_ = 	snop  }
0x41: {  	[tilespmem:s15], [sflag:$0x1] =	stream.indirect_vreg.gather [hbm4b:s9+s3], $0x80, v3, vm0, $0xb8;
	[tilespmem:$0x10080] =	vst v63  }
0x42: {  	v3 =	vld [tilespmem:s22+$0x20];
	_ =	sdelay $0x4  }
0x43: {  	v62 =	vshll.u32 v3, $0x3  }
0x44: {  	v3 =	vand.u32 $0x7, v3;
	v4 =	vand.u32 $0xFFFFFFC0, v62  }
0x45: {  	v3 =	vor.u32 v3, v4  }
0x46: {  	v4 =	vperm.xlane v3, v0;
	_ =	sdelay $0x1  }
0x47: {  	v4 =	vadd.s32 v1, v4;
	_ =	sdelay $0x4  }
0x48: {  	[tilespmem:s16], [sflag:$0x1] =	stream.indirect_vreg.gather [hbm4b:s5+s3], $0x80, v4, vm0, $0xb8;
	[tilespmem:$0x10080] =	vst v63  }
0x49: {  	v3 =	vperm.xlane v3, v2  }
0x4a: {  	[tilespmem:s17], [sflag:$0x1] =	stream.indirect_vreg.gather [hbm4b:s7+s3], $0x80, v4, vm0, $0xb8;
	[tilespmem:$0x10080] =	vst v63  }
0x4b: {  	v3 =	vadd.s32 v1, v3  }
0x4c: {  	[tilespmem:s18], [sflag:$0x1] =	stream.indirect_vreg.gather [hbm4b:s8+s3], $0x80, v4, vm0, $0xb8;
	[tilespmem:$0x10080] =	vst v63  }
0x4d: {  	_ = 	snop  }
0x4e: {  	[tilespmem:s19], [sflag:$0x1] =	stream.indirect_vreg.gather [hbm4b:s9+s3], $0x80, v4, vm0, $0xb8;
	[tilespmem:$0x10080] =	vst v63  }
0x4f: {  	_ = 	snop  }
0x50: {  	[tilespmem:s20], [sflag:$0x1] =	stream.indirect_vreg.gather [hbm4b:s5+s3], $0x80, v3, vm0, $0xb8;
	[tilespmem:$0x10080] =	vst v63  }
0x51: {  	_ = 	snop  }
0x52: {  	[tilespmem:s24], [sflag:$0x1] =	stream.indirect_vreg.gather [hbm4b:s7+s3], $0x80, v3, vm0, $0xb8;
	[tilespmem:$0x10080] =	vst v63  }
0x53: {  	_ = 	snop  }
0x54: {  	[tilespmem:s25], [sflag:$0x1] =	stream.indirect_vreg.gather [hbm4b:s8+s3], $0x80, v3, vm0, $0xb8;
	[tilespmem:$0x10080] =	vst v63  }
0x55: {  	_ = 	snop  }
0x56: {  	[tilespmem:s26], [sflag:$0x1] =	stream.indirect_vreg.gather [hbm4b:s9+s3], $0x80, v3, vm0, $0xb8;
	[tilespmem:$0x10080] =	vst v63  }
0x57: {  	v3 =	vld [tilespmem:s22+$0x30];
	_ =	sdelay $0x4  }
0x58: {  	v63 =	vshll.u32 v3, $0x3  }
0x59: {  	v3 =	vand.u32 $0x7, v3;
	v4 =	vand.u32 $0xFFFFFFC0, v63  }
0x5a: {  	v3 =	vor.u32 v3, v4  }
0x5b: {  	v4 =	vperm.xlane v3, v0;
	_ =	sdelay $0x1  }
0x5c: {  	v4 =	vadd.s32 v1, v4;
	_ =	sdelay $0x4  }
0x5d: {  	[tilespmem:s23], [sflag:$0x1] =	stream.indirect_vreg.gather [hbm4b:s5+s3], $0x80, v4, vm0, $0xb8;
	[tilespmem:$0x10080] =	vst v63  }
0x5e: {  	v3 =	vperm.xlane v3, v2  }
0x5f: {  	[tilespmem:s28], [sflag:$0x1] =	stream.indirect_vreg.gather [hbm4b:s7+s3], $0x80, v4, vm0, $0xb8;
	[tilespmem:$0x10080] =	vst v63  }
0x60: {  	v3 =	vadd.s32 v1, v3  }
0x61: {  	[tilespmem:s29], [sflag:$0x1] =	stream.indirect_vreg.gather [hbm4b:s8+s3], $0x80, v4, vm0, $0xb8;
	[tilespmem:$0x10080] =	vst v63  }
0x62: {  	_ = 	snop  }
0x63: {  	[tilespmem:s30], [sflag:$0x1] =	stream.indirect_vreg.gather [hbm4b:s9+s3], $0x80, v4, vm0, $0xb8;
	[tilespmem:$0x10080] =	vst v63  }
0x64: {  	_ = 	snop  }
0x65: {  	[tilespmem:s31], [sflag:$0x1] =	stream.indirect_vreg.gather [hbm4b:s5+s3], $0x80, v3, vm0, $0xb8;
	[tilespmem:$0x10080] =	vst v63  }
0x66: {  	_ = 	snop  }
0x67: {  	[tilespmem:s0], [sflag:$0x1] =	stream.indirect_vreg.gather [hbm4b:s7+s3], $0x80, v3, vm0, $0xb8;
	[tilespmem:$0x10080] =	vst v63  }
0x68: {  	_ = 	snop  }
0x69: {  	[tilespmem:s1], [sflag:$0x1] =	stream.indirect_vreg.gather [hbm4b:s8+s3], $0x80, v3, vm0, $0xb8;
	[tilespmem:$0x10080] =	vst v63  }
0x6a: {  	_ = 	snop  }
0x6b: {  	[tilespmem:s6], [sflag:$0x1] =	stream.indirect_vreg.gather [hbm4b:s9+s3], $0x80, v3, vm0, $0xb8;
	[tilespmem:$0x10080] =	vst v63  }
0x6c: {  	_ =	swait.ge [sflag:s21], $0x10000  }
0x6d: {  	[sflag:s21] =	ssyncset.done $0x0  }
0x6e: {  	s10 =	sor.u32 s4, s22;
	[sflag:s21] =	ssyncadd.s32 $0xFFFF0000  }
0x6f: {  	p1 =	por p0, p0;
	s22 =	sshll.u32 s10, $0x7;
	s10 =	rddreg [dreg:$0x0]  }
.Ltmp0:
0x70: {  	s22 =	sadd.s32 s10, s22;
	(pc) =	sbr.rel @p1 .LBB2_2-.Ltmp0, $4  }
0x71: {  	[hbm4b:s22+s3] =	stream.linear.scatter [tilespmem:s12], [sflag:$0x2], $0x10000, $0x38;
	[tilespmem:$0x10080] =	vst v63  }
0x72: {  	_ =	swait.ge [sflag:s11], $0x10000  }
0x73: {  	[sflag:s11] =	ssyncset.done $0x0  }
0x74: {  	p0 =	por $0x0, $0x0;
	s22 =	simm.s32 $0x40;
	[sflag:s11] =	ssyncadd.s32 $0xFFFF0000  }
0x75: {  	s0 =	rddreg [dreg:$0x4]  }
0x76: {  	s22 =	rddreg [dreg:$0x3];
	s0 =	sadd.s32 $0x1, s0  }
0x77: {  	p0 =	sne.s32 s0, s22  }
.Ltmp1:
0x78: {  	_ = 	snop;
	(pc) =	sbr.rel @p0 .LBB2_1-.Ltmp1, $1  }
0x79: {  	_ =	sdelay $0x3  }
0x7a: {  	_ =	sfence.sel $0x180000  }
0x7b: {  	[bflag:$0x0] =	sbarrier.arrive $0xFFFF  }
0x7c: {  	_ =	strace $0x90000050  }
0x7d: {  	s0 =	stileid.u32;
	[bflag:$0x2] =	sbarrier.arrive $0xFFFF  }
0x7e: {  	p0 =	sne.s32 s0, $0x0;
	s0 =	rddreg [dreg:$0x1]  }
0x7f: {  	s0 =	sadd.s32 @!p0 $0x100000, s0  }
0x80: {  	[sflag:s0] =	ssyncadd.tile.s32 @!p0 $0x1;
	_ =	shalt  }
.Lfunc_end2:
_tile_overlayer_lowered:
.L_overlay_start_2:
0x81: {  	(tag) =	ssettag $0x2  }
0x82: {  	s0 =	rddreg [dreg:$0x0];
	s2 =	stileid.u32  }
0x83: {  	s1 =	rddreg [dreg:$0x1];
	p0 =	sne.s32 s2, $0x0  }
0x84: {  	s3 =	rddreg [dreg:$0x2];
	[bflag:$0x3] =	sbarrier.arrive $0xFFFF;
	s2 =	simm.s32 @!p0 $0x1C02  }
0x85: {  	[timem:s3], [sflag:s2] =	dma.local @!p0 [hbm:s0], s1  }
0x86: {  	s0 =	simm.s32 @!p0 $0x2  }
0x87: {  	_ =	swait.ge @!p0 [sflag:s0], s1  }
0x88: {  	s1 =	ssub.s32 @!p0 $0x0, s1;
	[sflag:s0] =	ssyncset.done @!p0 $0x0  }
0x89: {  	[sflag:s0] =	ssyncadd.s32 @!p0 s1  }
0x8a: {  	[bflag:$0x3] =	sbarrier.arrive $0xFFFF  }
0x8b: {  	_ =	shalt  }

// kernel: scatter_offload_async_start
scs
__scs_entry_jumppad:
0x0: {  	(pc) =	sbr.rel $0x88, $3  }
0x1: {  	(tag) =	ssettag $0x0;
	lr =	simm.s32 $0x1  }
0x2: {  	[smem:$0x3F99] =	sst lr;
	_ =	strace $0xD0000000  }
0x3: {  	_ = 	snop  }
0x4: {  	_ = 	snop  }
0x5: {  	_ = 	snop  }
0x6: {  	_ = 	snop  }
0x7: {  	_ = 	snop  }
__scs_overlays_trampoline_lowered:
0x8: {  	[smem:$0x3FA8] =	sst s0  }
0x9: {  	[smem:$0x3FA9] =	sst s1  }
0xa: {  	[smem:$0x3FAA] =	sst s2  }
0xb: {  	[smem:$0x3FAB] =	sst s3  }
0xc: {  	[smem:$0x3FAC] =	sst s4  }
0xd: {  	[smem:$0x3FAD] =	sst s5  }
0xe: {  	[smem:$0x3FAE] =	sst s6  }
0xf: {  	[smem:$0x3FAF] =	sst s7  }
0x10: {  	[smem:$0x3FB0] =	sst s8  }
0x11: {  	[smem:$0x3FB1] =	sst s9;
	s0 =	simm.s32 @!p0 $0x0  }
0x12: {  	s1 =	sld [smem:$0x3F97];
	s0 =	simm.s32 @p0 $0x1  }
0x13: {  	[smem:$0x3FB2] =	sst s0;
	s0 =	simm.s32 @!p1 $0x0  }
0x14: {  	s2 =	sld [smem:$0x3F96];
	s0 =	simm.s32 @p1 $0x1  }
0x15: {  	[smem:$0x3FB3] =	sst s0;
	s0 =	simm.s32 @!p2 $0x0  }
0x16: {  	s3 =	sld [smem:$0x3FDB];
	s0 =	simm.s32 @p2 $0x1  }
0x17: {  	s4 =	simm.s32 $0x1BF5;
	[smem:$0x3FB5] =	sst s0  }
0x18: {  	s0 =	sld [smem:$0x3F98];
	_ =	swait.ge [sflag:s4], $0x0  }
0x19: {  	s7 =	sld [smem:$0x3F99]  }
0x1a: {  	s8 =	sadd.s32 $0xFFFFE003, lr  }
0x1b: {  	s9 =	sadd.s32 $0xFFFFFEF7, lr;
	s5 =	simm.s32 $0xFFFFFFFF;
	p2 =	slt.u32 s8, $0xFFFFF086  }
0x1c: {  	p1 =	slt.u32 s9, $0xF7A;
	s5 =	simm.s32 @!p2 $0x0  }
0x1d: {  	s5 =	simm.s32 @p1 $0x1;
	p0 =	seq.s32 s7, s2  }
0x1e: {  	s7 =	smul.u32 @!p0 $0xF7A, s2;
	p2 =	seq.s32 @!p0 s5, $0x0  }
0x1f: {  	s9 =	smul.u32 $0xF7A, s1;
	s8 =	simm.s32 @!p0 $0x1BF5;
	p2 =	por !p2, p0  }
0x20: {  	[sflag:s8] =	ssyncset.s32 @!p0 $0xFFFFF086;
	s6 =	sadd.s32 @!p0 s3, s7;
	s7 =	simm.s32 @!p0 $0x108  }
0x21: {  	s3 =	sadd.s32 s3, s9;
	s6 =	sadd.s32 @!p0 $0x88, s6;
	s7 =	simm.s32 @p2 $0x1082  }
0x22: {  	[simem:s7], [sflag:s8] =	dma.local @!p0 [hbm:s6], $0xF7A  }
0x23: {  	s9 =	sor.u32 $0xD0000000, s2;
	s6 =	simm.s32 $0x108;
	_ =	swait.ge @!p0 [sflag:s8], $0x0  }
0x24: {  	s3 =	sadd.s32 $0x88, s3;
	s6 =	simm.s32 @!p1 $0x1082;
	[sflag:s4] =	ssyncset.s32 $0xFFFFF086  }
0x25: {  	[simem:s6], [sflag:s4] =	dma.local [hbm:s3], $0xF7A  }
0x26: {  	[smem:$0x3F99] =	sst s1;
	(tag) =	ssettag s2;
	_ =	strace s9  }
0x27: {  	s1 =	sld [smem:$0x3FA9]  }
0x28: {  	s2 =	sld [smem:$0x3FAA]  }
0x29: {  	s4 =	sld [smem:$0x3FAC]  }
0x2a: {  	p0 =	seq.s32 s5, $0x0;
	s5 =	sld [smem:$0x3FAD]  }
0x2b: {  	s6 =	sld [smem:$0x3FAE]  }
0x2c: {  	s7 =	sld [smem:$0x3FAF]  }
0x2d: {  	s3 =	simm.s32 $0x108;
	s8 =	sld [smem:$0x3FB0]  }
0x2e: {  	s3 =	simm.s32 @!p0 $0x1082;
	s9 =	sld [smem:$0x3FB1]  }
0x2f: {  	lr =	sadd.s32 s0, s3;
	s0 =	sld [smem:$0x3FA8]  }
0x30: {  	s3 =	sld [smem:$0x3FAB]  }
0x31: {  	[smem:$0x3FB4] =	sst s10  }
0x32: {  	s10 =	sld [smem:$0x3FB2];
	_ =	sdelay $0x3  }
0x33: {  	p0 =	seq.s32 s10, $0x1;
	s10 =	sld [smem:$0x3FB4];
	_ =	sdelay $0x3  }
0x34: {  	[smem:$0x3FB4] =	sst s10  }
0x35: {  	s10 =	sld [smem:$0x3FB3];
	_ =	sdelay $0x3  }
0x36: {  	p1 =	seq.s32 s10, $0x1;
	s10 =	sld [smem:$0x3FB4];
	_ =	sdelay $0x3  }
0x37: {  	[smem:$0x3FB4] =	sst s10  }
0x38: {  	s10 =	sld [smem:$0x3FB5]  }
0x39: {  	_ = 	snop;
	(pc) =	sbr.ind lr, $3  }
0x3a: {  	_ = 	snop  }
0x3b: {  	_ = 	snop  }
0x3c: {  	p2 =	seq.s32 s10, $0x1;
	s10 =	sld [smem:$0x3FB4]  }
0x3d: {  	_ =	shalt  }
0x3e: {  	_ =	shalt  }
0x3f: {  	_ =	shalt  }
0x40: {  	_ =	shalt  }
0x41: {  	_ =	shalt  }
0x42: {  	_ =	shalt  }
0x43: {  	_ =	shalt  }
0x44: {  	_ =	shalt  }
0x45: {  	_ =	shalt  }
0x46: {  	_ =	shalt  }
0x47: {  	_ =	shalt  }
0x48: {  	_ =	shalt  }
0x49: {  	_ =	shalt  }
0x4a: {  	_ =	shalt  }
0x4b: {  	_ =	shalt  }
0x4c: {  	_ =	shalt  }
0x4d: {  	_ =	shalt  }
0x4e: {  	_ =	shalt  }
0x4f: {  	_ =	shalt  }
0x50: {  	_ =	shalt  }
0x51: {  	_ =	shalt  }
0x52: {  	_ =	shalt  }
0x53: {  	_ =	shalt  }
0x54: {  	_ =	shalt  }
0x55: {  	_ =	shalt  }
0x56: {  	_ =	shalt  }
0x57: {  	_ =	shalt  }
0x58: {  	_ =	shalt  }
0x59: {  	_ =	shalt  }
0x5a: {  	_ =	shalt  }
0x5b: {  	_ =	shalt  }
0x5c: {  	_ =	shalt  }
0x5d: {  	_ =	shalt  }
0x5e: {  	_ =	shalt  }
0x5f: {  	_ =	shalt  }
0x60: {  	_ =	shalt  }
0x61: {  	_ =	shalt  }
0x62: {  	_ =	shalt  }
0x63: {  	_ =	shalt  }
0x64: {  	_ =	shalt  }
0x65: {  	_ =	shalt  }
0x66: {  	_ =	shalt  }
0x67: {  	_ =	shalt  }
0x68: {  	_ =	shalt  }
0x69: {  	_ =	shalt  }
0x6a: {  	_ =	shalt  }
0x6b: {  	_ =	shalt  }
0x6c: {  	_ =	shalt  }
0x6d: {  	_ =	shalt  }
0x6e: {  	_ =	shalt  }
0x6f: {  	_ =	shalt  }
0x70: {  	_ =	shalt  }
0x71: {  	_ =	shalt  }
0x72: {  	_ =	shalt  }
0x73: {  	_ =	shalt  }
0x74: {  	_ =	shalt  }
0x75: {  	_ =	shalt  }
0x76: {  	_ =	shalt  }
0x77: {  	_ =	shalt  }
0x78: {  	_ =	shalt  }
0x79: {  	_ =	shalt  }
0x7a: {  	_ =	shalt  }
0x7b: {  	_ =	shalt  }
0x7c: {  	_ =	shalt  }
0x7d: {  	_ =	shalt  }
0x7e: {  	_ =	shalt  }
0x7f: {  	_ =	shalt  }
0x80: {  	_ =	shalt  }
0x81: {  	_ =	shalt  }
0x82: {  	_ =	shalt  }
0x83: {  	_ =	shalt  }
0x84: {  	_ =	shalt  }
0x85: {  	_ =	shalt  }
0x86: {  	_ =	shalt  }
0x87: {  	_ =	shalt  }
.Lfunc_end0:
.L_simem_size_0:
called_computation_lowered:
.L_overlay_start_0:
0x88: {  	s0 =	sld [smem:$0x3FD9]  }
0x89: {  	s1 =	sld [smem:$0x3FFE];
	_ =	sdelay $0x3  }
0x8a: {  	s0 =	sadd.s32 s1, s0  }
0x8b: {  	[smem:$0x3FC0] =	sst s0  }
0x8c: {  	_ = 	snop  }
0x8d: {  	s0 =	sld [smem:$0x3FD0];
	(tm) =	ssettm $0x1  }
0x8e: {  	s16 =	sld [smem:$0x3FFB];
	_ =	sdelay $0x3  }
0x8f: {  	_ =	strace s16  }
0x90: {  	s1 =	sld [smem:$0x3FFC];
	_ =	sdelay $0x3  }
0x91: {  	_ =	strace s1  }
0x92: {  	s1 =	sld [smem:$0x3FFD];
	_ =	sdelay $0x3  }
0x93: {  	_ =	strace s1  }
0x94: {  	_ =	strace $0x8FFFFFFF  }
0x95: {  	s17 =	sld [smem:$0x3FDB];
	_ =	sdelay $0x1  }
0x96: {  	s2 =	simm.s32 $_scs_section_size  }
0x97: {  	s3 =	simm.s32 $_size__tile_overlayer_lowered;
	s4 =	simm.s32 $_tile_overlayer_lowered  }
0x98: {  	s20 =	simm.s32 $0x1BFF;
	s19 =	sshll.u32 s4, $0x1;
	s1 =	sadd.s32 s2, s17  }
0x99: {  	s5 =	simm.s32 $0x0;
	s18 =	sshll.u32 s3, $0x1;
	s3 =	sadd.s32 s19, s1  }
0x9a: {  	[timem:s5], [sflag:s20] =	dma.local [hbm:s3], s18  }
0x9b: {  	_ =	swait.ge [sflag:s20], s18  }
0x9c: {  	s2 =	ssub.s32 $0x0, s18;
	[sflag:s20] =	ssyncset.done $0x0  }
0x9d: {  	[sflag:s20] =	ssyncadd.s32 s2;
	_ =	sdelay $0x1  }
0x9e: {  	s21 =	simm.s32 $0x1B8B  }
0x9f: {  	_ =	swait.ge [sflag:s21], $0x1  }
0xa0: {  	[sflag:s21] =	ssyncset.done $0x0  }
0xa1: {  	s23 =	simm.s32 $0x1B8E;
	s22 =	sld [smem:$0x3FFE];
	[sflag:s21] =	ssyncadd.s32 $0xFFFFFFFF  }
0xa2: {  	s24 =	simm.s32 $execute0_lowered;
	[smem:$0x3FD2] =	sst s23  }
0xa3: {  	s3 =	sshll.u32 s24, $0x1;
	_ =	strace $0x80000046;
	[dreg:$0x1] =	wrdreg $0xFFFFFFFF  }
0xa4: {  	s25 =	simm.s32 $_size_execute0_lowered;
	s1 =	sadd.s32 s1, s3;
	[dreg:$0x0] =	wrdreg $0x0  }
0xa5: {  	s3 =	sshll.u32 s25, $0x1;
	[dreg:$0x2] =	wrdreg s1  }
0xa6: {  	[dreg:$0x3] =	wrdreg s3  }
0xa7: {  	[dreg:$0x4] =	wrdreg $0xC0  }
0xa8: {  	_ =	task [dreg:s5], $0x5FFFF  }
0xa9: {  	[dreg:$0x1] =	wrdreg $0xFFFFFFFF  }
0xaa: {  	[dreg:$0x0] =	wrdreg $0x60  }
0xab: {  	[dreg:$0x2] =	wrdreg s22  }
0xac: {  	[dreg:$0x3] =	wrdreg s0  }
0xad: {  	[dreg:$0x4] =	wrdreg $0x9  }
0xae: {  	_ =	task.clear_ibuf [dreg:s5], $0x5FFFF;
	_ =	strace $0x90000046  }
0xaf: {  	s26 =	simm.s32 $0x9;
	_ =	strace $0x80000048  }
0xb0: {  	_ =	swait.ge [sflag:s26], $0x1  }
0xb1: {  	[sflag:s26] =	ssyncadd.s32 $0xFFFFFFFF  }
0xb2: {  	_ =	strace $0x90000048  }
0xb3: {  	_ =	sfence  }
0xb4: {  	s28 =	sld [smem:$0x0];
	_ =	sdelay $0x1  }
0xb5: {  	s29 =	srdreg.scid  }
0xb6: {  	s30 =	sshll.u32 s29, $0xD;
	s31 =	sshrl.u32 s29, $0x2  }
0xb7: {  	s2 =	sand.u32 $0x4000, s30;
	s1 =	sand.u32 $0x1, s29;
	s0 =	sadd.s32 s31, s28  }
0xb8: {  	s1 =	sor.u32 s2, s1;
	s0 =	sshll.u32 s0, $0x11  }
0xb9: {  	s0 =	sor.u32 s0, s1  }
0xba: {  	s0 =	sadd.s32 $0x8F2B, s0  }
0xbb: {  	[sflag:s0] =	ssyncadd.remote.s32 $0x1  }
0xbc: {  	_ =	sfence.sel $0xFFFF  }
0xbd: {  	[dreg:$0x0] =	wrdreg $0xFFFFFFFF;
	(pc) =	sbr.abs _section_cstart, $3  }
0xbe: {  	[dreg:$0x1] =	wrdreg $0xFFFFFFFF  }
0xbf: {  	_ =	task.clear_ibuf [dreg:s5], $0x2FFFF;
	_ =	strace $0x9FFFFFFF  }
0xc0: {  	(tm) =	ssettm $0x7FFFFFFF  }
0xc1: {  	_ =	shalt  }
tec
execute0_lowered:
.L_overlay_start_1:
0x0: {  	(tag) =	ssettag $0x1  }
0x1: {  	s5 =	rddreg [dreg:$0x0]  }
0x2: {  	s6 =	rddreg [dreg:$0x1]  }
0x3: {  	s0 =	rddreg [dreg:$0x2];
	_ =	strace $0x80000047;
	s7 =	stileid.u32  }
0x4: {  	s3 =	simm.s32 $0x3E;
	s1 =	sadd.s32 $0x200, s5;
	p0 =	sne.s32 s7, $0x0  }
0x5: {  	[sflag:s3] =	ssyncpa.u1 $0x0;
	s4 =	simm.s32 @!p0 $0x1C3E;
	s2 =	simm.s32 @!p0 $0x0  }
0x6: {  	[spmem:s2], [sflag:s4] =	dma.local @!p0 [hbm:s1], $0x10  }
0x7: {  	s4 =	simm.s32 @!p0 $0x3E  }
0x8: {  	_ =	swait.ge @!p0 [sflag:s4], $0x10  }
0x9: {  	[sflag:s4] =	ssyncset.done @!p0 $0x0  }
0xa: {  	[sflag:s4] =	ssyncadd.s32 @!p0 $0xFFFFFFF0  }
0xb: {  	s9 =	simm.s32 $0x108;
	s8 =	sadd.s32 $0x400, s5;
	[bflag:$0x0] =	sbarrier.arrive $0xFFFF  }
0xc: {  	s7 =	sshll.u32 s7, $0x5;
	[sflag:s3] =	ssyncpa.u1 $0x1;
	s3 =	simm.s32 $0x1  }
0xd: {  	s5 =	simm.s32 $0x0;
	s4 =	simm.s32 $0x2;
	[sflag:s3] =	ssyncpa.u1 $0x0  }
0xe: {  	s6 =	sadd.s32 s6, s7;
	(ifvalue) =	ssetifvalue $0x80;
	[sflag:s4] =	ssyncpa.u1 $0x0  }
0xf: {  	[tilespmem:s9], [sflag:$0x2] =	stream.linear.gather [hbm4b:s6+s5], $0x100, $0x38;
	[tilespmem:$0x408] =	vst v63  }
0x10: {  	s23 =	simm.s32 $0x308;
	s22 =	sadd.s32 s8, s7  }
0x11: {  	[tilespmem:s23], [sflag:$0x2] =	stream.linear.gather [hbm4b:s22+s5], $0x100, $0x38;
	[tilespmem:$0x408] =	vst v63  }
0x12: {  	_ =	swait.ge [sflag:s4], $0x200  }
0x13: {  	[sflag:s4] =	ssyncset.done $0x0  }
0x14: {  	[sflag:s4] =	ssyncadd.s32 $0xFFFFFE00  }
0x15: {  	v0 =	vld.msk [tilespmem:s9+$0x0 ss:$0x1], $0xffff;
	_ =	sdelay $0x4  }
0x16: {  	v0 =	vmin.u32 v0, $0x80;
	_ =	sdelay $0x3  }
0x17: {  	vm0 =	vmmov $0xffff;
	s24 =	simm.s32 $0x118  }
0x18: {  	[spmem:s5] =	stream.indirect_vreg.scatter.add.s32 [tilespmem:s23], [sflag:$0x1], $0x1, v0, vm0, $0x4038;
	[tilespmem:$0x408] =	vst v63  }
0x19: {  	v0 =	vld.msk [tilespmem:s24+$0x0 ss:$0x1], $0xffff;
	_ =	sdelay $0x4  }
0x1a: {  	v0 =	vmin.u32 v0, $0x80;
	_ =	sdelay $0x3  }
0x1b: {  	s25 =	simm.s32 $0x318;
	s26 =	simm.s32 $0x128  }
0x1c: {  	[spmem:s5] =	stream.indirect_vreg.scatter.add.s32 [tilespmem:s25], [sflag:$0x1], $0x1, v0, vm0, $0x4038;
	[tilespmem:$0x408] =	vst v63  }
0x1d: {  	v0 =	vld.msk [tilespmem:s26+$0x0 ss:$0x1], $0xffff;
	_ =	sdelay $0x4  }
0x1e: {  	v0 =	vmin.u32 v0, $0x80;
	_ =	sdelay $0x3  }
0x1f: {  	s28 =	simm.s32 $0x328;
	s29 =	simm.s32 $0x138  }
0x20: {  	[spmem:s5] =	stream.indirect_vreg.scatter.add.s32 [tilespmem:s28], [sflag:$0x1], $0x1, v0, vm0, $0x4038;
	[tilespmem:$0x408] =	vst v63  }
0x21: {  	v0 =	vld.msk [tilespmem:s29+$0x0 ss:$0x1], $0xffff;
	_ =	sdelay $0x4  }
0x22: {  	v0 =	vmin.u32 v0, $0x80;
	_ =	sdelay $0x3  }
0x23: {  	s30 =	simm.s32 $0x338;
	s31 =	simm.s32 $0x148  }
0x24: {  	[spmem:s5] =	stream.indirect_vreg.scatter.add.s32 [tilespmem:s30], [sflag:$0x1], $0x1, v0, vm0, $0x4038;
	[tilespmem:$0x408] =	vst v63  }
0x25: {  	v0 =	vld.msk [tilespmem:s31+$0x0 ss:$0x1], $0xffff;
	_ =	sdelay $0x4  }
0x26: {  	v0 =	vmin.u32 v0, $0x80;
	_ =	sdelay $0x3  }
0x27: {  	s7 =	simm.s32 $0x348;
	s8 =	simm.s32 $0x158  }
0x28: {  	[spmem:s5] =	stream.indirect_vreg.scatter.add.s32 [tilespmem:s7], [sflag:$0x1], $0x1, v0, vm0, $0x4038;
	[tilespmem:$0x408] =	vst v63  }
0x29: {  	v0 =	vld.msk [tilespmem:s8+$0x0 ss:$0x1], $0xffff;
	_ =	sdelay $0x4  }
0x2a: {  	v0 =	vmin.u32 v0, $0x80;
	_ =	sdelay $0x3  }
0x2b: {  	s10 =	simm.s32 $0x168;
	s9 =	simm.s32 $0x358  }
0x2c: {  	[spmem:s5] =	stream.indirect_vreg.scatter.add.s32 [tilespmem:s9], [sflag:$0x1], $0x1, v0, vm0, $0x4038;
	[tilespmem:$0x408] =	vst v63  }
0x2d: {  	v0 =	vld.msk [tilespmem:s10+$0x0 ss:$0x1], $0xffff;
	_ =	sdelay $0x4  }
0x2e: {  	v0 =	vmin.u32 v0, $0x80;
	_ =	sdelay $0x3  }
0x2f: {  	s11 =	simm.s32 $0x368;
	s12 =	simm.s32 $0x178  }
0x30: {  	[spmem:s5] =	stream.indirect_vreg.scatter.add.s32 [tilespmem:s11], [sflag:$0x1], $0x1, v0, vm0, $0x4038;
	[tilespmem:$0x408] =	vst v63  }
0x31: {  	v0 =	vld.msk [tilespmem:s12+$0x0 ss:$0x1], $0xffff;
	_ =	sdelay $0x4  }
0x32: {  	v0 =	vmin.u32 v0, $0x80;
	_ =	sdelay $0x3  }
0x33: {  	s13 =	simm.s32 $0x378;
	s14 =	simm.s32 $0x188  }
0x34: {  	[spmem:s5] =	stream.indirect_vreg.scatter.add.s32 [tilespmem:s13], [sflag:$0x1], $0x1, v0, vm0, $0x4038;
	[tilespmem:$0x408] =	vst v63  }
0x35: {  	v0 =	vld.msk [tilespmem:s14+$0x0 ss:$0x1], $0xffff;
	_ =	sdelay $0x4  }
0x36: {  	v0 =	vmin.u32 v0, $0x80;
	_ =	sdelay $0x3  }
0x37: {  	s15 =	simm.s32 $0x388;
	s16 =	simm.s32 $0x198  }
0x38: {  	[spmem:s5] =	stream.indirect_vreg.scatter.add.s32 [tilespmem:s15], [sflag:$0x1], $0x1, v0, vm0, $0x4038;
	[tilespmem:$0x408] =	vst v63  }
0x39: {  	v0 =	vld.msk [tilespmem:s16+$0x0 ss:$0x1], $0xffff;
	_ =	sdelay $0x4  }
0x3a: {  	v0 =	vmin.u32 v0, $0x80;
	_ =	sdelay $0x3  }
0x3b: {  	s17 =	simm.s32 $0x398;
	s18 =	simm.s32 $0x1A8  }
0x3c: {  	[spmem:s5] =	stream.indirect_vreg.scatter.add.s32 [tilespmem:s17], [sflag:$0x1], $0x1, v0, vm0, $0x4038;
	[tilespmem:$0x408] =	vst v63  }
0x3d: {  	v0 =	vld.msk [tilespmem:s18+$0x0 ss:$0x1], $0xffff;
	_ =	sdelay $0x4  }
0x3e: {  	v0 =	vmin.u32 v0, $0x80;
	_ =	sdelay $0x3  }
0x3f: {  	s19 =	simm.s32 $0x3A8;
	s20 =	simm.s32 $0x1B8  }
0x40: {  	[spmem:s5] =	stream.indirect_vreg.scatter.add.s32 [tilespmem:s19], [sflag:$0x1], $0x1, v0, vm0, $0x4038;
	[tilespmem:$0x408] =	vst v63  }
0x41: {  	v0 =	vld.msk [tilespmem:s20+$0x0 ss:$0x1], $0xffff;
	_ =	sdelay $0x4  }
0x42: {  	v0 =	vmin.u32 v0, $0x80;
	_ =	sdelay $0x3  }
0x43: {  	s21 =	simm.s32 $0x3B8;
	s22 =	simm.s32 $0x1C8  }
0x44: {  	[spmem:s5] =	stream.indirect_vreg.scatter.add.s32 [tilespmem:s21], [sflag:$0x1], $0x1, v0, vm0, $0x4038;
	[tilespmem:$0x408] =	vst v63  }
0x45: {  	v0 =	vld.msk [tilespmem:s22+$0x0 ss:$0x1], $0xffff;
	_ =	sdelay $0x4  }
0x46: {  	v0 =	vmin.u32 v0, $0x80;
	_ =	sdelay $0x3  }
0x47: {  	s23 =	simm.s32 $0x3C8;
	s24 =	simm.s32 $0x1D8  }
0x48: {  	[spmem:s5] =	stream.indirect_vreg.scatter.add.s32 [tilespmem:s23], [sflag:$0x1], $0x1, v0, vm0, $0x4038;
	[tilespmem:$0x408] =	vst v63  }
0x49: {  	v0 =	vld.msk [tilespmem:s24+$0x0 ss:$0x1], $0xffff;
	_ =	sdelay $0x4  }
0x4a: {  	v0 =	vmin.u32 v0, $0x80;
	_ =	sdelay $0x3  }
0x4b: {  	s25 =	simm.s32 $0x3D8;
	s26 =	simm.s32 $0x1E8  }
0x4c: {  	[spmem:s5] =	stream.indirect_vreg.scatter.add.s32 [tilespmem:s25], [sflag:$0x1], $0x1, v0, vm0, $0x4038;
	[tilespmem:$0x408] =	vst v63  }
0x4d: {  	v0 =	vld.msk [tilespmem:s26+$0x0 ss:$0x1], $0xffff;
	_ =	sdelay $0x4  }
0x4e: {  	v0 =	vmin.u32 v0, $0x80;
	_ =	sdelay $0x3  }
0x4f: {  	s28 =	simm.s32 $0x3E8;
	s29 =	simm.s32 $0x1F8  }
0x50: {  	[spmem:s5] =	stream.indirect_vreg.scatter.add.s32 [tilespmem:s28], [sflag:$0x1], $0x1, v0, vm0, $0x4038;
	[tilespmem:$0x408] =	vst v63  }
0x51: {  	v0 =	vld.msk [tilespmem:s29+$0x0 ss:$0x1], $0xffff;
	_ =	sdelay $0x4  }
0x52: {  	v0 =	vmin.u32 v0, $0x80;
	_ =	sdelay $0x3  }
0x53: {  	s30 =	simm.s32 $0x3F8  }
0x54: {  	[spmem:s5] =	stream.indirect_vreg.scatter.add.s32 [tilespmem:s30], [sflag:$0x1], $0x1, v0, vm0, $0x4038;
	[tilespmem:$0x408] =	vst v63  }
0x55: {  	_ =	swait.ge [sflag:s3], $0x100  }
0x56: {  	[sflag:s3] =	ssyncset.done $0x0  }
0x57: {  	[sflag:s3] =	ssyncadd.s32 $0xFFFFFF00  }
0x58: {  	_ =	sfence.sel $0x180000  }
0x59: {  	[bflag:$0x0] =	sbarrier.arrive $0xFFFF  }
0x5a: {  	[sflag:s4] =	ssyncpa.u1 $0x1  }
0x5b: {  	[sflag:s3] =	ssyncpa.u1 $0x1  }
0x5c: {  	_ =	sfence.stream.spmem  }
0x5d: {  	s31 =	simm.s32 $0x3D;
	[bflag:$0x0] =	sbarrier.arrive $0xFFFF  }
0x5e: {  	s3 =	simm.s32 @p0 $0x3D;
	[sflag:s31] =	ssyncpa.u1 $0x0  }
0x5f: {  	[sflag:s3] =	ssyncpa.u1 @p0 $0x1  }
0x60: {  	[bflag:$0x0] =	sbarrier.arrive @p0 $0xFFFF  }
0x61: {  	_ =	strace @p0 $0x90000047  }
0x62: {  	s3 =	simm.s32 @!p0 $0x1C3D;
	[bflag:$0x2] =	sbarrier.arrive @p0 $0xFFFF  }
0x63: {  	[hbm:s1], [sflag:s3] =	dma.local @!p0 [spmem:s2], $0x10  }
0x64: {  	s1 =	simm.s32 @!p0 $0x3D  }
0x65: {  	_ =	swait.ge @!p0 [sflag:s1], $0x10  }
0x66: {  	[sflag:s1] =	ssyncset.done @!p0 $0x0  }
0x67: {  	[sflag:s1] =	ssyncadd.s32 @!p0 $0xFFFFFFF0  }
0x68: {  	[sflag:s1] =	ssyncpa.u1 @!p0 $0x1  }
0x69: {  	[bflag:$0x0] =	sbarrier.arrive @!p0 $0xFFFF  }
0x6a: {  	_ =	strace @!p0 $0x90000047  }
0x6b: {  	s0 =	sadd.s32 @!p0 $0x100000, s0;
	[bflag:$0x2] =	sbarrier.arrive @!p0 $0xFFFF  }
0x6c: {  	[sflag:s0] =	ssyncadd.tile.s32 @!p0 $0x1;
	_ =	shalt  }
.Lfunc_end2:
_tile_overlayer_lowered:
.L_overlay_start_2:
0x6d: {  	(tag) =	ssettag $0x2  }
0x6e: {  	s0 =	rddreg [dreg:$0x0];
	s2 =	stileid.u32  }
0x6f: {  	s1 =	rddreg [dreg:$0x1];
	p0 =	sne.s32 s2, $0x0  }
0x70: {  	s3 =	rddreg [dreg:$0x2];
	[bflag:$0x3] =	sbarrier.arrive $0xFFFF;
	s2 =	simm.s32 @!p0 $0x1C01  }
0x71: {  	[timem:s3], [sflag:s2] =	dma.local @!p0 [hbm:s0], s1  }
0x72: {  	s0 =	simm.s32 @!p0 $0x1  }
0x73: {  	_ =	swait.ge @!p0 [sflag:s0], s1  }
0x74: {  	s1 =	ssub.s32 @!p0 $0x0, s1;
	[sflag:s0] =	ssyncset.done @!p0 $0x0  }
0x75: {  	[sflag:s0] =	ssyncadd.s32 @!p0 s1  }
0x76: {  	[bflag:$0x3] =	sbarrier.arrive $0xFFFF  }
0x77: {  	_ =	shalt  }

</sc_bundles>
